<compile_context>
chip_gen: v7x
topology: tpu7x:2x2x1
jax: 0.10.2.dev20260603
libtpu: 0.0.44.dev20260713+nightly
codegen_flags: <defaults>
</compile_context>

<pallas_src>
import functools

import jax
import jax.numpy as jnp
from jax import lax
from jax.experimental import pallas as pl
from jax.experimental.pallas import tpu as pltpu
from jax.experimental.pallas import tpu_sc as plsc

TOPK = 20
NEG = -1e30
BIGI = 2 ** 30


def _row_standardize(x):
    mean = x.mean(axis=-1, keepdims=True)
    std = jnp.std(x, axis=-1, keepdims=True, ddof=1) + 1e-06
    return (x - mean) / std


def _row_l2norm(x):
    n = jnp.linalg.norm(x, axis=1, keepdims=True)
    return x / jnp.maximum(n, 1e-12)



def _simsmax_body(qb, kb, n, nkb):
    gpt = kb // 128

    def body(qn_ref, rn_ref, sims_ref, gt_ref):
        kbi = pl.program_id(0)
        qbi = pl.program_id(1)
        qblk = qn_ref[pl.ds(qbi * qb, qb), :]
        sims = lax.dot_general(
            qblk, rn_ref[...],
            (((1,), (1,)), ((), ())),
            preferred_element_type=jnp.float32,
        )
        simst = lax.dot_general(
            rn_ref[...], qblk,
            (((1,), (1,)), ((), ())),
            preferred_element_type=jnp.float32,
        )

        def write_all(s, st):
            gms = []
            for g in range(gpt):
                sims_ref[g] = s[:, g * 128:(g + 1) * 128]
                gms.append(jnp.max(st[g * 128:(g + 1) * 128, :], axis=0,
                                   keepdims=True))
            gt_ref[...] = jnp.concatenate(gms, axis=0)

        write_all(sims, simst)

        @pl.when(kbi == nkb - 1)
        def _():
            cols = kbi * kb + lax.broadcasted_iota(jnp.int32, (qb, kb), 1)
            rowsk = kbi * kb + lax.broadcasted_iota(jnp.int32, (kb, qb), 0)
            write_all(jnp.where(cols < n, sims, NEG),
                      jnp.where(rowsk < n, simst, NEG))
    return body


def _simsmax(qn, rn, n, qb, kb):
    q, d = qn.shape
    nkb = (n + kb - 1) // kb
    gpt = kb // 128
    ng = nkb * gpt
    return pl.pallas_call(
        _simsmax_body(qb, kb, n, nkb),
        grid=(nkb, q // qb),
        in_specs=[
            pl.BlockSpec((q, d), lambda k, i: (0, 0)),
            pl.BlockSpec((kb, d), lambda k, i: (k, 0)),
        ],
        out_specs=[
            pl.BlockSpec((gpt, qb, 128), lambda k, i: (k, i, 0)),
            pl.BlockSpec((gpt, qb), lambda k, i: (k, i)),
        ],
        out_shape=[
            jax.ShapeDtypeStruct((ng, q, 128), jnp.float32),
            jax.ShapeDtypeStruct((ng, q), jnp.float32),
        ],
    )(qn, rn)



def _groupsel_body(qb, ng, qtot):
    def body(gt_ref, fid_ref):
        qbi = pl.program_id(0)
        g = gt_ref[...]
        gidx = lax.broadcasted_iota(jnp.int32, (ng, qb), 0)
        sels = []
        for _ in range(TOPK):
            m = jnp.max(g, axis=0, keepdims=True)
            sel = jnp.min(jnp.where(g == m, gidx, BIGI), axis=0,
                          keepdims=True)
            sels.append(sel)
            g = jnp.where(gidx == sel, NEG, g)
        qrow = qbi * qb + lax.broadcasted_iota(jnp.int32, (1, qb), 1)
        rows = [s * qtot + qrow for s in sels]
        rows.append(jnp.zeros((32 - TOPK, qb), jnp.int32))
        fid_ref[...] = jnp.concatenate(rows, axis=0)
    return body


def _groupsel(gt, qb):
    ng, q = gt.shape
    return pl.pallas_call(
        _groupsel_body(qb, ng, q),
        grid=(q // qb,),
        in_specs=[pl.BlockSpec((ng, qb), lambda i: (0, i))],
        out_specs=pl.BlockSpec((32, qb), lambda i: (0, i)),
        out_shape=jax.ShapeDtypeStruct((32, q), jnp.int32),
    )(gt)



def _final_body(qb, nc):
    def body(cand_ref, gsel_ref, w_ref, yc_ref):
        c = cand_ref[...]
        lane = lax.broadcasted_iota(jnp.int32, (qb, 128), 1)
        ci = jnp.concatenate(
            [gsel_ref[:, j:j + 1] * 128 + lane for j in range(TOPK)],
            axis=1)
        nv, ni = [], []
        for _ in range(TOPK):
            m = jnp.max(c, axis=1, keepdims=True)
            sel = jnp.min(jnp.where(c == m, ci, BIGI), axis=1,
                          keepdims=True)
            nv.append(m)
            ni.append(sel)
            c = jnp.where(ci == sel, NEG, c)
        vals = jnp.concatenate(nv, axis=1)
        mx = jnp.max(vals, axis=1, keepdims=True)
        e = jnp.exp(vals - mx)
        w_ref[...] = e / jnp.sum(e, axis=1, keepdims=True)
        ni.append(jnp.zeros((qb, 32 - TOPK), jnp.int32))
        yc_ref[...] = jnp.concatenate(ni, axis=1)
    return body


def _final(cand, gsel, qb):
    q, nc = cand.shape
    return pl.pallas_call(
        _final_body(qb, nc),
        grid=(q // qb,),
        in_specs=[
            pl.BlockSpec((qb, nc), lambda i: (i, 0)),
            pl.BlockSpec((qb, 32), lambda i: (i, 0)),
        ],
        out_specs=[
            pl.BlockSpec((qb, TOPK), lambda i: (i, 0)),
            pl.BlockSpec((qb, 32), lambda i: (i, 0)),
        ],
        out_shape=[
            jax.ShapeDtypeStruct((q, TOPK), jnp.float32),
            jax.ShapeDtypeStruct((q, 32), jnp.int32),
        ],
    )(cand, gsel)



def _gather_rows(table, idx):
    v, d = table.shape
    b = idx.shape[0]
    info = plsc.get_sparse_core_info()
    nw = info.num_cores * info.num_subcores
    b_per_w = b // nw
    chunk = 640
    nchunk = b_per_w // chunk
    mesh = plsc.VectorSubcoreMesh(core_axis_name="c", subcore_axis_name="s")

    @functools.partial(
        pl.kernel, mesh=mesh,
        out_type=jax.ShapeDtypeStruct((b, d), jnp.float32),
        scratch_types=[
            pltpu.VMEM((chunk,), jnp.int32),
            pltpu.VMEM((chunk, d), jnp.float32),
            pltpu.SemaphoreType.DMA,
        ],
    )
    def k(table_hbm, idx_hbm, out_hbm, idx_v, rows_v, sem):
        wid = lax.axis_index("s") * info.num_cores + lax.axis_index("c")
        base = wid * b_per_w
        for c in range(nchunk):
            off = base + c * chunk
            pltpu.sync_copy(idx_hbm.at[pl.ds(off, chunk)], idx_v)
            pltpu.async_copy(table_hbm.at[idx_v], rows_v, sem).wait()
            pltpu.sync_copy(rows_v, out_hbm.at[pl.ds(off, chunk)])

    return k(table, idx)



def kernel(x, X_train, Y_train):
    q, d = x.shape
    n = X_train.shape[0]
    qb, kb = 256, 2048
    ng = ((n + kb - 1) // kb) * (kb // 128)

    qn = _row_l2norm(_row_standardize(x).reshape(q, -1))
    rn = _row_l2norm(_row_standardize(X_train).reshape(n, -1))

    sims3, gt = _simsmax(qn, rn, n, qb, kb)
    fid = _groupsel(gt, qb)

    fid_t = fid.T
    idx_flat = fid_t[:, :TOPK].reshape(-1)
    cand = _gather_rows(sims3.reshape(q * ng, 128), idx_flat)
    cand = cand.reshape(q, TOPK * 128)
    gsel = fid_t // q

    weights, ycols = _final(cand, gsel, qb)

    dy = Y_train.shape[1]
    yp = jnp.pad(Y_train, ((0, 0), (0, 128 - dy)))
    yk = _gather_rows(yp, ycols[:, :TOPK].reshape(-1))[:, :dy]
    return (weights, yk.reshape(q, TOPK, dy))

# --- scband reference (transcript-rebuilt; emitter-appended) ---
"""Pipeline reference for scband-global-retriever-5729486373216 (READ-ONLY COPY).

The authoritative reference and input builder live on the scoring server;
editing this copy changes nothing except your own understanding.
"""

import jax, jax.numpy as jnp
import numpy as np


def _enc(x):
    mean = x.mean(axis=-1, keepdims=True)
    std = jnp.std(x, axis=-1, keepdims=True, ddof=1) + 1e-06
    xn = (x - mean) / std
    return xn.reshape(x.shape[0], -1)


def _normalize(x, axis=1, eps=1e-12):
    n = jnp.linalg.norm(x, axis=axis, keepdims=True)
    return x / jnp.maximum(n, eps)


def setup_inputs(seed: int = 0) -> dict:
    key = jax.random.key(seed)
    k1, k2, k3 = jax.random.split(key, 3)
    x = jax.random.normal(k1, (4096, 512), dtype=jnp.float32)
    X_train = jax.random.normal(k2, (100000, 512), dtype=jnp.float32)
    Y_train = jax.random.normal(k3, (100000, 64), dtype=jnp.float32)
    return {"x": x, "X_train": X_train, "Y_train": Y_train}


def reference(x, X_train, Y_train):
    topk = 20
    # build(): buffers are detached encodings of the training set
    X_ref = _enc(X_train)
    Y_ref = Y_train
    # retrieve():
    q = _enc(x)
    qn = _normalize(q, axis=1)
    rn = _normalize(X_ref, axis=1)
    sims = jnp.matmul(qn, rn.T)
    k = min(topk, sims.shape[1])
    vals, idx = jax.lax.top_k(sims, k)
    Yk = Y_ref[idx]
    weights = jax.nn.softmax(vals, axis=1)
    return (weights, Yk)

if __name__ == "__main__":
    import jax
    _d = setup_inputs()
    print(jax.jit(kernel)(*tuple(_d.values())))

</pallas_src>

<mosaic_0001>
#map = affine_map<(d0, d1) -> (0, 0)>
#map1 = affine_map<(d0, d1) -> (0)>
module attributes {stable_mosaic.version = 14 : i64} {
  func.func @k(%arg0: i32, %arg1: i32, %arg2: memref<3211264x128xf32, #tpu.memory_space<hbm>>, %arg3: memref<81920xi32, #tpu.memory_space<hbm>>, %arg4: memref<81920x128xf32, #tpu.memory_space<hbm>>, %arg5: memref<640xi32, #tpu.memory_space<vmem>>, %arg6: memref<640x128xf32, #tpu.memory_space<vmem>>, %arg7: memref<!tpu.dma_semaphore, #tpu.memory_space<semaphore_mem>>) attributes {dimension_semantics = [#tpu.dimension_semantics<core_parallel>, #tpu.dimension_semantics<subcore_parallel>], iteration_bounds = array<i64: 2, 16>, scalar_prefetch = 0 : i64, scratch_operands = 3 : i64, tpu.core_type = #tpu.core_type<sc_vector_subcore>, window_params = [{transform_indices = #map}, {transform_indices = #map1}, {transform_indices = #map}]} {
    %mul3A = arith.constant 2 : i32
    %mul3A_0 = arith.muli %arg1, %mul3A : i32
    %add3A = arith.addi %mul3A_0, %arg0 : i32
    %mul3A_1 = arith.constant 2560 : i32
    %mul3A_2 = arith.muli %add3A, %mul3A_1 : i32
    %add3A_3 = arith.constant 0 : i32
    %add3A_4 = arith.addi %mul3A_2, %add3A_3 : i32
    "tpu.region"() ({
      %run_scoped3A = tpu.sem_alloc : memref<!tpu.dma_semaphore, #tpu.memory_space<semaphore_mem>>
      %dma_start3A_33 = tpu.memref_slice %arg3[%add3A_4] : memref<81920xi32, #tpu.memory_space<hbm>> -> memref<640xi32, #tpu.memory_space<hbm>>
      %dma_start3A_34 = tpu.memref_slice %arg3[%add3A_4] : memref<81920xi32, #tpu.memory_space<hbm>> -> memref<640xi32, #tpu.memory_space<hbm>>
      tpu.enqueue_dma source(%dma_start3A_34 : memref<640xi32, #tpu.memory_space<hbm>>) target(%arg5 : memref<640xi32, #tpu.memory_space<vmem>>) target_semaphore(%run_scoped3A : memref<!tpu.dma_semaphore, #tpu.memory_space<semaphore_mem>>)
      %dma_wait3A_35 = tpu.memref_slice %arg3[%add3A_4] : memref<81920xi32, #tpu.memory_space<hbm>> -> memref<640xi32, #tpu.memory_space<hbm>>
      %dma_wait3A_36 = tpu.memref_slice %arg3[%add3A_4] : memref<81920xi32, #tpu.memory_space<hbm>> -> memref<640xi32, #tpu.memory_space<hbm>>
      tpu.wait_dma2 semaphore(%run_scoped3A : memref<!tpu.dma_semaphore, #tpu.memory_space<semaphore_mem>>) src(%dma_wait3A_36 : memref<640xi32, #tpu.memory_space<hbm>>) dst(%arg5 : memref<640xi32, #tpu.memory_space<vmem>>)
      tpu.yield
    }) : () -> ()
    %dma_start3A = arith.constant 0 : i32
    %dma_start3A_5 = arith.constant 0 : i32
    %dma_start3A_6 = tpu.memref_slice %arg2[%dma_start3A, %dma_start3A_5] : memref<3211264x128xf32, #tpu.memory_space<hbm>> -> memref<3211264x128xf32, #tpu.memory_space<hbm>>
    tpu.enqueue_indirect_dma source(%dma_start3A_6 : memref<3211264x128xf32, #tpu.memory_space<hbm>>) target(%arg6 : memref<640x128xf32, #tpu.memory_space<vmem>>) offsets(%arg5 : memref<640xi32, #tpu.memory_space<vmem>>) semaphore(%arg7 : memref<!tpu.dma_semaphore, #tpu.memory_space<semaphore_mem>>)
    %dma_wait3A = arith.constant 0 : i32
    %dma_wait3A_7 = arith.constant 0 : i32
    %dma_wait3A_8 = tpu.memref_slice %arg2[%dma_wait3A, %dma_wait3A_7] : memref<3211264x128xf32, #tpu.memory_space<hbm>> -> memref<3211264x128xf32, #tpu.memory_space<hbm>>
    tpu.wait_indirect_dma semaphore(%arg7 : memref<!tpu.dma_semaphore, #tpu.memory_space<semaphore_mem>>) src(%dma_wait3A_8 : memref<3211264x128xf32, #tpu.memory_space<hbm>>) dst(%arg6 : memref<640x128xf32, #tpu.memory_space<vmem>>)
    "tpu.region"() ({
      %run_scoped3A = tpu.sem_alloc : memref<!tpu.dma_semaphore, #tpu.memory_space<semaphore_mem>>
      %dma_start3A_33 = arith.constant 0 : i32
      %dma_start3A_34 = tpu.memref_slice %arg4[%add3A_4, %dma_start3A_33] : memref<81920x128xf32, #tpu.memory_space<hbm>> -> memref<640x128xf32, #tpu.memory_space<hbm>>
      %dma_start3A_35 = arith.constant 0 : i32
      %dma_start3A_36 = tpu.memref_slice %arg4[%add3A_4, %dma_start3A_35] : memref<81920x128xf32, #tpu.memory_space<hbm>> -> memref<640x128xf32, #tpu.memory_space<hbm>>
      tpu.enqueue_dma source(%arg6 : memref<640x128xf32, #tpu.memory_space<vmem>>) target(%dma_start3A_36 : memref<640x128xf32, #tpu.memory_space<hbm>>) target_semaphore(%run_scoped3A : memref<!tpu.dma_semaphore, #tpu.memory_space<semaphore_mem>>)
      %dma_wait3A_37 = arith.constant 0 : i32
      %dma_wait3A_38 = tpu.memref_slice %arg4[%add3A_4, %dma_wait3A_37] : memref<81920x128xf32, #tpu.memory_space<hbm>> -> memref<640x128xf32, #tpu.memory_space<hbm>>
      %dma_wait3A_39 = arith.constant 0 : i32
      %dma_wait3A_40 = tpu.memref_slice %arg4[%add3A_4, %dma_wait3A_39] : memref<81920x128xf32, #tpu.memory_space<hbm>> -> memref<640x128xf32, #tpu.memory_space<hbm>>
      tpu.wait_dma2 semaphore(%run_scoped3A : memref<!tpu.dma_semaphore, #tpu.memory_space<semaphore_mem>>) src(%arg6 : memref<640x128xf32, #tpu.memory_space<vmem>>) dst(%dma_wait3A_40 : memref<640x128xf32, #tpu.memory_space<hbm>>)
      tpu.yield
    }) : () -> ()
    %add3A_9 = arith.constant 640 : i32
    %add3A_10 = arith.addi %mul3A_2, %add3A_9 : i32
    "tpu.region"() ({
      %run_scoped3A = tpu.sem_alloc : memref<!tpu.dma_semaphore, #tpu.memory_space<semaphore_mem>>
      %dma_start3A_33 = tpu.memref_slice %arg3[%add3A_10] : memref<81920xi32, #tpu.memory_space<hbm>> -> memref<640xi32, #tpu.memory_space<hbm>>
      %dma_start3A_34 = tpu.memref_slice %arg3[%add3A_10] : memref<81920xi32, #tpu.memory_space<hbm>> -> memref<640xi32, #tpu.memory_space<hbm>>
      tpu.enqueue_dma source(%dma_start3A_34 : memref<640xi32, #tpu.memory_space<hbm>>) target(%arg5 : memref<640xi32, #tpu.memory_space<vmem>>) target_semaphore(%run_scoped3A : memref<!tpu.dma_semaphore, #tpu.memory_space<semaphore_mem>>)
      %dma_wait3A_35 = tpu.memref_slice %arg3[%add3A_10] : memref<81920xi32, #tpu.memory_space<hbm>> -> memref<640xi32, #tpu.memory_space<hbm>>
      %dma_wait3A_36 = tpu.memref_slice %arg3[%add3A_10] : memref<81920xi32, #tpu.memory_space<hbm>> -> memref<640xi32, #tpu.memory_space<hbm>>
      tpu.wait_dma2 semaphore(%run_scoped3A : memref<!tpu.dma_semaphore, #tpu.memory_space<semaphore_mem>>) src(%dma_wait3A_36 : memref<640xi32, #tpu.memory_space<hbm>>) dst(%arg5 : memref<640xi32, #tpu.memory_space<vmem>>)
      tpu.yield
    }) : () -> ()
    %dma_start3A_11 = arith.constant 0 : i32
    %dma_start3A_12 = arith.constant 0 : i32
    %dma_start3A_13 = tpu.memref_slice %arg2[%dma_start3A_11, %dma_start3A_12] : memref<3211264x128xf32, #tpu.memory_space<hbm>> -> memref<3211264x128xf32, #tpu.memory_space<hbm>>
    tpu.enqueue_indirect_dma source(%dma_start3A_13 : memref<3211264x128xf32, #tpu.memory_space<hbm>>) target(%arg6 : memref<640x128xf32, #tpu.memory_space<vmem>>) offsets(%arg5 : memref<640xi32, #tpu.memory_space<vmem>>) semaphore(%arg7 : memref<!tpu.dma_semaphore, #tpu.memory_space<semaphore_mem>>)
    %dma_wait3A_14 = arith.constant 0 : i32
    %dma_wait3A_15 = arith.constant 0 : i32
    %dma_wait3A_16 = tpu.memref_slice %arg2[%dma_wait3A_14, %dma_wait3A_15] : memref<3211264x128xf32, #tpu.memory_space<hbm>> -> memref<3211264x128xf32, #tpu.memory_space<hbm>>
    tpu.wait_indirect_dma semaphore(%arg7 : memref<!tpu.dma_semaphore, #tpu.memory_space<semaphore_mem>>) src(%dma_wait3A_16 : memref<3211264x128xf32, #tpu.memory_space<hbm>>) dst(%arg6 : memref<640x128xf32, #tpu.memory_space<vmem>>)
    "tpu.region"() ({
      %run_scoped3A = tpu.sem_alloc : memref<!tpu.dma_semaphore, #tpu.memory_space<semaphore_mem>>
      %dma_start3A_33 = arith.constant 0 : i32
      %dma_start3A_34 = tpu.memref_slice %arg4[%add3A_10, %dma_start3A_33] : memref<81920x128xf32, #tpu.memory_space<hbm>> -> memref<640x128xf32, #tpu.memory_space<hbm>>
      %dma_start3A_35 = arith.constant 0 : i32
      %dma_start3A_36 = tpu.memref_slice %arg4[%add3A_10, %dma_start3A_35] : memref<81920x128xf32, #tpu.memory_space<hbm>> -> memref<640x128xf32, #tpu.memory_space<hbm>>
      tpu.enqueue_dma source(%arg6 : memref<640x128xf32, #tpu.memory_space<vmem>>) target(%dma_start3A_36 : memref<640x128xf32, #tpu.memory_space<hbm>>) target_semaphore(%run_scoped3A : memref<!tpu.dma_semaphore, #tpu.memory_space<semaphore_mem>>)
      %dma_wait3A_37 = arith.constant 0 : i32
      %dma_wait3A_38 = tpu.memref_slice %arg4[%add3A_10, %dma_wait3A_37] : memref<81920x128xf32, #tpu.memory_space<hbm>> -> memref<640x128xf32, #tpu.memory_space<hbm>>
      %dma_wait3A_39 = arith.constant 0 : i32
      %dma_wait3A_40 = tpu.memref_slice %arg4[%add3A_10, %dma_wait3A_39] : memref<81920x128xf32, #tpu.memory_space<hbm>> -> memref<640x128xf32, #tpu.memory_space<hbm>>
      tpu.wait_dma2 semaphore(%run_scoped3A : memref<!tpu.dma_semaphore, #tpu.memory_space<semaphore_mem>>) src(%arg6 : memref<640x128xf32, #tpu.memory_space<vmem>>) dst(%dma_wait3A_40 : memref<640x128xf32, #tpu.memory_space<hbm>>)
      tpu.yield
    }) : () -> ()
    %add3A_17 = arith.constant 1280 : i32
    %add3A_18 = arith.addi %mul3A_2, %add3A_17 : i32
    "tpu.region"() ({
      %run_scoped3A = tpu.sem_alloc : memref<!tpu.dma_semaphore, #tpu.memory_space<semaphore_mem>>
      %dma_start3A_33 = tpu.memref_slice %arg3[%add3A_18] : memref<81920xi32, #tpu.memory_space<hbm>> -> memref<640xi32, #tpu.memory_space<hbm>>
      %dma_start3A_34 = tpu.memref_slice %arg3[%add3A_18] : memref<81920xi32, #tpu.memory_space<hbm>> -> memref<640xi32, #tpu.memory_space<hbm>>
      tpu.enqueue_dma source(%dma_start3A_34 : memref<640xi32, #tpu.memory_space<hbm>>) target(%arg5 : memref<640xi32, #tpu.memory_space<vmem>>) target_semaphore(%run_scoped3A : memref<!tpu.dma_semaphore, #tpu.memory_space<semaphore_mem>>)
      %dma_wait3A_35 = tpu.memref_slice %arg3[%add3A_18] : memref<81920xi32, #tpu.memory_space<hbm>> -> memref<640xi32, #tpu.memory_space<hbm>>
      %dma_wait3A_36 = tpu.memref_slice %arg3[%add3A_18] : memref<81920xi32, #tpu.memory_space<hbm>> -> memref<640xi32, #tpu.memory_space<hbm>>
      tpu.wait_dma2 semaphore(%run_scoped3A : memref<!tpu.dma_semaphore, #tpu.memory_space<semaphore_mem>>) src(%dma_wait3A_36 : memref<640xi32, #tpu.memory_space<hbm>>) dst(%arg5 : memref<640xi32, #tpu.memory_space<vmem>>)
      tpu.yield
    }) : () -> ()
    %dma_start3A_19 = arith.constant 0 : i32
    %dma_start3A_20 = arith.constant 0 : i32
    %dma_start3A_21 = tpu.memref_slice %arg2[%dma_start3A_19, %dma_start3A_20] : memref<3211264x128xf32, #tpu.memory_space<hbm>> -> memref<3211264x128xf32, #tpu.memory_space<hbm>>
    tpu.enqueue_indirect_dma source(%dma_start3A_21 : memref<3211264x128xf32, #tpu.memory_space<hbm>>) target(%arg6 : memref<640x128xf32, #tpu.memory_space<vmem>>) offsets(%arg5 : memref<640xi32, #tpu.memory_space<vmem>>) semaphore(%arg7 : memref<!tpu.dma_semaphore, #tpu.memory_space<semaphore_mem>>)
    %dma_wait3A_22 = arith.constant 0 : i32
    %dma_wait3A_23 = arith.constant 0 : i32
    %dma_wait3A_24 = tpu.memref_slice %arg2[%dma_wait3A_22, %dma_wait3A_23] : memref<3211264x128xf32, #tpu.memory_space<hbm>> -> memref<3211264x128xf32, #tpu.memory_space<hbm>>
    tpu.wait_indirect_dma semaphore(%arg7 : memref<!tpu.dma_semaphore, #tpu.memory_space<semaphore_mem>>) src(%dma_wait3A_24 : memref<3211264x128xf32, #tpu.memory_space<hbm>>) dst(%arg6 : memref<640x128xf32, #tpu.memory_space<vmem>>)
    "tpu.region"() ({
      %run_scoped3A = tpu.sem_alloc : memref<!tpu.dma_semaphore, #tpu.memory_space<semaphore_mem>>
      %dma_start3A_33 = arith.constant 0 : i32
      %dma_start3A_34 = tpu.memref_slice %arg4[%add3A_18, %dma_start3A_33] : memref<81920x128xf32, #tpu.memory_space<hbm>> -> memref<640x128xf32, #tpu.memory_space<hbm>>
      %dma_start3A_35 = arith.constant 0 : i32
      %dma_start3A_36 = tpu.memref_slice %arg4[%add3A_18, %dma_start3A_35] : memref<81920x128xf32, #tpu.memory_space<hbm>> -> memref<640x128xf32, #tpu.memory_space<hbm>>
      tpu.enqueue_dma source(%arg6 : memref<640x128xf32, #tpu.memory_space<vmem>>) target(%dma_start3A_36 : memref<640x128xf32, #tpu.memory_space<hbm>>) target_semaphore(%run_scoped3A : memref<!tpu.dma_semaphore, #tpu.memory_space<semaphore_mem>>)
      %dma_wait3A_37 = arith.constant 0 : i32
      %dma_wait3A_38 = tpu.memref_slice %arg4[%add3A_18, %dma_wait3A_37] : memref<81920x128xf32, #tpu.memory_space<hbm>> -> memref<640x128xf32, #tpu.memory_space<hbm>>
      %dma_wait3A_39 = arith.constant 0 : i32
      %dma_wait3A_40 = tpu.memref_slice %arg4[%add3A_18, %dma_wait3A_39] : memref<81920x128xf32, #tpu.memory_space<hbm>> -> memref<640x128xf32, #tpu.memory_space<hbm>>
      tpu.wait_dma2 semaphore(%run_scoped3A : memref<!tpu.dma_semaphore, #tpu.memory_space<semaphore_mem>>) src(%arg6 : memref<640x128xf32, #tpu.memory_space<vmem>>) dst(%dma_wait3A_40 : memref<640x128xf32, #tpu.memory_space<hbm>>)
      tpu.yield
    }) : () -> ()
    %add3A_25 = arith.constant 1920 : i32
    %add3A_26 = arith.addi %mul3A_2, %add3A_25 : i32
    "tpu.region"() ({
      %run_scoped3A = tpu.sem_alloc : memref<!tpu.dma_semaphore, #tpu.memory_space<semaphore_mem>>
      %dma_start3A_33 = tpu.memref_slice %arg3[%add3A_26] : memref<81920xi32, #tpu.memory_space<hbm>> -> memref<640xi32, #tpu.memory_space<hbm>>
      %dma_start3A_34 = tpu.memref_slice %arg3[%add3A_26] : memref<81920xi32, #tpu.memory_space<hbm>> -> memref<640xi32, #tpu.memory_space<hbm>>
      tpu.enqueue_dma source(%dma_start3A_34 : memref<640xi32, #tpu.memory_space<hbm>>) target(%arg5 : memref<640xi32, #tpu.memory_space<vmem>>) target_semaphore(%run_scoped3A : memref<!tpu.dma_semaphore, #tpu.memory_space<semaphore_mem>>)
      %dma_wait3A_35 = tpu.memref_slice %arg3[%add3A_26] : memref<81920xi32, #tpu.memory_space<hbm>> -> memref<640xi32, #tpu.memory_space<hbm>>
      %dma_wait3A_36 = tpu.memref_slice %arg3[%add3A_26] : memref<81920xi32, #tpu.memory_space<hbm>> -> memref<640xi32, #tpu.memory_space<hbm>>
      tpu.wait_dma2 semaphore(%run_scoped3A : memref<!tpu.dma_semaphore, #tpu.memory_space<semaphore_mem>>) src(%dma_wait3A_36 : memref<640xi32, #tpu.memory_space<hbm>>) dst(%arg5 : memref<640xi32, #tpu.memory_space<vmem>>)
      tpu.yield
    }) : () -> ()
    %dma_start3A_27 = arith.constant 0 : i32
    %dma_start3A_28 = arith.constant 0 : i32
    %dma_start3A_29 = tpu.memref_slice %arg2[%dma_start3A_27, %dma_start3A_28] : memref<3211264x128xf32, #tpu.memory_space<hbm>> -> memref<3211264x128xf32, #tpu.memory_space<hbm>>
    tpu.enqueue_indirect_dma source(%dma_start3A_29 : memref<3211264x128xf32, #tpu.memory_space<hbm>>) target(%arg6 : memref<640x128xf32, #tpu.memory_space<vmem>>) offsets(%arg5 : memref<640xi32, #tpu.memory_space<vmem>>) semaphore(%arg7 : memref<!tpu.dma_semaphore, #tpu.memory_space<semaphore_mem>>)
    %dma_wait3A_30 = arith.constant 0 : i32
    %dma_wait3A_31 = arith.constant 0 : i32
    %dma_wait3A_32 = tpu.memref_slice %arg2[%dma_wait3A_30, %dma_wait3A_31] : memref<3211264x128xf32, #tpu.memory_space<hbm>> -> memref<3211264x128xf32, #tpu.memory_space<hbm>>
    tpu.wait_indirect_dma semaphore(%arg7 : memref<!tpu.dma_semaphore, #tpu.memory_space<semaphore_mem>>) src(%dma_wait3A_32 : memref<3211264x128xf32, #tpu.memory_space<hbm>>) dst(%arg6 : memref<640x128xf32, #tpu.memory_space<vmem>>)
    "tpu.region"() ({
      %run_scoped3A = tpu.sem_alloc : memref<!tpu.dma_semaphore, #tpu.memory_space<semaphore_mem>>
      %dma_start3A_33 = arith.constant 0 : i32
      %dma_start3A_34 = tpu.memref_slice %arg4[%add3A_26, %dma_start3A_33] : memref<81920x128xf32, #tpu.memory_space<hbm>> -> memref<640x128xf32, #tpu.memory_space<hbm>>
      %dma_start3A_35 = arith.constant 0 : i32
      %dma_start3A_36 = tpu.memref_slice %arg4[%add3A_26, %dma_start3A_35] : memref<81920x128xf32, #tpu.memory_space<hbm>> -> memref<640x128xf32, #tpu.memory_space<hbm>>
      tpu.enqueue_dma source(%arg6 : memref<640x128xf32, #tpu.memory_space<vmem>>) target(%dma_start3A_36 : memref<640x128xf32, #tpu.memory_space<hbm>>) target_semaphore(%run_scoped3A : memref<!tpu.dma_semaphore, #tpu.memory_space<semaphore_mem>>)
      %dma_wait3A_37 = arith.constant 0 : i32
      %dma_wait3A_38 = tpu.memref_slice %arg4[%add3A_26, %dma_wait3A_37] : memref<81920x128xf32, #tpu.memory_space<hbm>> -> memref<640x128xf32, #tpu.memory_space<hbm>>
      %dma_wait3A_39 = arith.constant 0 : i32
      %dma_wait3A_40 = tpu.memref_slice %arg4[%add3A_26, %dma_wait3A_39] : memref<81920x128xf32, #tpu.memory_space<hbm>> -> memref<640x128xf32, #tpu.memory_space<hbm>>
      tpu.wait_dma2 semaphore(%run_scoped3A : memref<!tpu.dma_semaphore, #tpu.memory_space<semaphore_mem>>) src(%arg6 : memref<640x128xf32, #tpu.memory_space<vmem>>) dst(%dma_wait3A_40 : memref<640x128xf32, #tpu.memory_space<hbm>>)
      tpu.yield
    }) : () -> ()
    return
  }
}

#map = affine_map<(d0, d1) -> (0, 0)>
#map1 = affine_map<(d0, d1) -> (0)>
module attributes {stable_mosaic.version = 14 : i64} {
  func.func @k(%arg0: i32, %arg1: i32, %arg2: memref<100000x128xf32, #tpu.memory_space<hbm>>, %arg3: memref<81920xi32, #tpu.memory_space<hbm>>, %arg4: memref<81920x128xf32, #tpu.memory_space<hbm>>, %arg5: memref<640xi32, #tpu.memory_space<vmem>>, %arg6: memref<640x128xf32, #tpu.memory_space<vmem>>, %arg7: memref<!tpu.dma_semaphore, #tpu.memory_space<semaphore_mem>>) attributes {dimension_semantics = [#tpu.dimension_semantics<core_parallel>, #tpu.dimension_semantics<subcore_parallel>], iteration_bounds = array<i64: 2, 16>, scalar_prefetch = 0 : i64, scratch_operands = 3 : i64, tpu.core_type = #tpu.core_type<sc_vector_subcore>, window_params = [{transform_indices = #map}, {transform_indices = #map1}, {transform_indices = #map}]} {
    %mul3A = arith.constant 2 : i32
    %mul3A_0 = arith.muli %arg1, %mul3A : i32
    %add3A = arith.addi %mul3A_0, %arg0 : i32
    %mul3A_1 = arith.constant 2560 : i32
    %mul3A_2 = arith.muli %add3A, %mul3A_1 : i32
    %add3A_3 = arith.constant 0 : i32
    %add3A_4 = arith.addi %mul3A_2, %add3A_3 : i32
    "tpu.region"() ({
      %run_scoped3A = tpu.sem_alloc : memref<!tpu.dma_semaphore, #tpu.memory_space<semaphore_mem>>
      %dma_start3A_33 = tpu.memref_slice %arg3[%add3A_4] : memref<81920xi32, #tpu.memory_space<hbm>> -> memref<640xi32, #tpu.memory_space<hbm>>
      %dma_start3A_34 = tpu.memref_slice %arg3[%add3A_4] : memref<81920xi32, #tpu.memory_space<hbm>> -> memref<640xi32, #tpu.memory_space<hbm>>
      tpu.enqueue_dma source(%dma_start3A_34 : memref<640xi32, #tpu.memory_space<hbm>>) target(%arg5 : memref<640xi32, #tpu.memory_space<vmem>>) target_semaphore(%run_scoped3A : memref<!tpu.dma_semaphore, #tpu.memory_space<semaphore_mem>>)
      %dma_wait3A_35 = tpu.memref_slice %arg3[%add3A_4] : memref<81920xi32, #tpu.memory_space<hbm>> -> memref<640xi32, #tpu.memory_space<hbm>>
      %dma_wait3A_36 = tpu.memref_slice %arg3[%add3A_4] : memref<81920xi32, #tpu.memory_space<hbm>> -> memref<640xi32, #tpu.memory_space<hbm>>
      tpu.wait_dma2 semaphore(%run_scoped3A : memref<!tpu.dma_semaphore, #tpu.memory_space<semaphore_mem>>) src(%dma_wait3A_36 : memref<640xi32, #tpu.memory_space<hbm>>) dst(%arg5 : memref<640xi32, #tpu.memory_space<vmem>>)
      tpu.yield
    }) : () -> ()
    %dma_start3A = arith.constant 0 : i32
    %dma_start3A_5 = arith.constant 0 : i32
    %dma_start3A_6 = tpu.memref_slice %arg2[%dma_start3A, %dma_start3A_5] : memref<100000x128xf32, #tpu.memory_space<hbm>> -> memref<100000x128xf32, #tpu.memory_space<hbm>>
    tpu.enqueue_indirect_dma source(%dma_start3A_6 : memref<100000x128xf32, #tpu.memory_space<hbm>>) target(%arg6 : memref<640x128xf32, #tpu.memory_space<vmem>>) offsets(%arg5 : memref<640xi32, #tpu.memory_space<vmem>>) semaphore(%arg7 : memref<!tpu.dma_semaphore, #tpu.memory_space<semaphore_mem>>)
    %dma_wait3A = arith.constant 0 : i32
    %dma_wait3A_7 = arith.constant 0 : i32
    %dma_wait3A_8 = tpu.memref_slice %arg2[%dma_wait3A, %dma_wait3A_7] : memref<100000x128xf32, #tpu.memory_space<hbm>> -> memref<100000x128xf32, #tpu.memory_space<hbm>>
    tpu.wait_indirect_dma semaphore(%arg7 : memref<!tpu.dma_semaphore, #tpu.memory_space<semaphore_mem>>) src(%dma_wait3A_8 : memref<100000x128xf32, #tpu.memory_space<hbm>>) dst(%arg6 : memref<640x128xf32, #tpu.memory_space<vmem>>)
    "tpu.region"() ({
      %run_scoped3A = tpu.sem_alloc : memref<!tpu.dma_semaphore, #tpu.memory_space<semaphore_mem>>
      %dma_start3A_33 = arith.constant 0 : i32
      %dma_start3A_34 = tpu.memref_slice %arg4[%add3A_4, %dma_start3A_33] : memref<81920x128xf32, #tpu.memory_space<hbm>> -> memref<640x128xf32, #tpu.memory_space<hbm>>
      %dma_start3A_35 = arith.constant 0 : i32
      %dma_start3A_36 = tpu.memref_slice %arg4[%add3A_4, %dma_start3A_35] : memref<81920x128xf32, #tpu.memory_space<hbm>> -> memref<640x128xf32, #tpu.memory_space<hbm>>
      tpu.enqueue_dma source(%arg6 : memref<640x128xf32, #tpu.memory_space<vmem>>) target(%dma_start3A_36 : memref<640x128xf32, #tpu.memory_space<hbm>>) target_semaphore(%run_scoped3A : memref<!tpu.dma_semaphore, #tpu.memory_space<semaphore_mem>>)
      %dma_wait3A_37 = arith.constant 0 : i32
      %dma_wait3A_38 = tpu.memref_slice %arg4[%add3A_4, %dma_wait3A_37] : memref<81920x128xf32, #tpu.memory_space<hbm>> -> memref<640x128xf32, #tpu.memory_space<hbm>>
      %dma_wait3A_39 = arith.constant 0 : i32
      %dma_wait3A_40 = tpu.memref_slice %arg4[%add3A_4, %dma_wait3A_39] : memref<81920x128xf32, #tpu.memory_space<hbm>> -> memref<640x128xf32, #tpu.memory_space<hbm>>
      tpu.wait_dma2 semaphore(%run_scoped3A : memref<!tpu.dma_semaphore, #tpu.memory_space<semaphore_mem>>) src(%arg6 : memref<640x128xf32, #tpu.memory_space<vmem>>) dst(%dma_wait3A_40 : memref<640x128xf32, #tpu.memory_space<hbm>>)
      tpu.yield
    }) : () -> ()
    %add3A_9 = arith.constant 640 : i32
    %add3A_10 = arith.addi %mul3A_2, %add3A_9 : i32
    "tpu.region"() ({
      %run_scoped3A = tpu.sem_alloc : memref<!tpu.dma_semaphore, #tpu.memory_space<semaphore_mem>>
      %dma_start3A_33 = tpu.memref_slice %arg3[%add3A_10] : memref<81920xi32, #tpu.memory_space<hbm>> -> memref<640xi32, #tpu.memory_space<hbm>>
      %dma_start3A_34 = tpu.memref_slice %arg3[%add3A_10] : memref<81920xi32, #tpu.memory_space<hbm>> -> memref<640xi32, #tpu.memory_space<hbm>>
      tpu.enqueue_dma source(%dma_start3A_34 : memref<640xi32, #tpu.memory_space<hbm>>) target(%arg5 : memref<640xi32, #tpu.memory_space<vmem>>) target_semaphore(%run_scoped3A : memref<!tpu.dma_semaphore, #tpu.memory_space<semaphore_mem>>)
      %dma_wait3A_35 = tpu.memref_slice %arg3[%add3A_10] : memref<81920xi32, #tpu.memory_space<hbm>> -> memref<640xi32, #tpu.memory_space<hbm>>
      %dma_wait3A_36 = tpu.memref_slice %arg3[%add3A_10] : memref<81920xi32, #tpu.memory_space<hbm>> -> memref<640xi32, #tpu.memory_space<hbm>>
      tpu.wait_dma2 semaphore(%run_scoped3A : memref<!tpu.dma_semaphore, #tpu.memory_space<semaphore_mem>>) src(%dma_wait3A_36 : memref<640xi32, #tpu.memory_space<hbm>>) dst(%arg5 : memref<640xi32, #tpu.memory_space<vmem>>)
      tpu.yield
    }) : () -> ()
    %dma_start3A_11 = arith.constant 0 : i32
    %dma_start3A_12 = arith.constant 0 : i32
    %dma_start3A_13 = tpu.memref_slice %arg2[%dma_start3A_11, %dma_start3A_12] : memref<100000x128xf32, #tpu.memory_space<hbm>> -> memref<100000x128xf32, #tpu.memory_space<hbm>>
    tpu.enqueue_indirect_dma source(%dma_start3A_13 : memref<100000x128xf32, #tpu.memory_space<hbm>>) target(%arg6 : memref<640x128xf32, #tpu.memory_space<vmem>>) offsets(%arg5 : memref<640xi32, #tpu.memory_space<vmem>>) semaphore(%arg7 : memref<!tpu.dma_semaphore, #tpu.memory_space<semaphore_mem>>)
    %dma_wait3A_14 = arith.constant 0 : i32
    %dma_wait3A_15 = arith.constant 0 : i32
    %dma_wait3A_16 = tpu.memref_slice %arg2[%dma_wait3A_14, %dma_wait3A_15] : memref<100000x128xf32, #tpu.memory_space<hbm>> -> memref<100000x128xf32, #tpu.memory_space<hbm>>
    tpu.wait_indirect_dma semaphore(%arg7 : memref<!tpu.dma_semaphore, #tpu.memory_space<semaphore_mem>>) src(%dma_wait3A_16 : memref<100000x128xf32, #tpu.memory_space<hbm>>) dst(%arg6 : memref<640x128xf32, #tpu.memory_space<vmem>>)
    "tpu.region"() ({
      %run_scoped3A = tpu.sem_alloc : memref<!tpu.dma_semaphore, #tpu.memory_space<semaphore_mem>>
      %dma_start3A_33 = arith.constant 0 : i32
      %dma_start3A_34 = tpu.memref_slice %arg4[%add3A_10, %dma_start3A_33] : memref<81920x128xf32, #tpu.memory_space<hbm>> -> memref<640x128xf32, #tpu.memory_space<hbm>>
      %dma_start3A_35 = arith.constant 0 : i32
      %dma_start3A_36 = tpu.memref_slice %arg4[%add3A_10, %dma_start3A_35] : memref<81920x128xf32, #tpu.memory_space<hbm>> -> memref<640x128xf32, #tpu.memory_space<hbm>>
      tpu.enqueue_dma source(%arg6 : memref<640x128xf32, #tpu.memory_space<vmem>>) target(%dma_start3A_36 : memref<640x128xf32, #tpu.memory_space<hbm>>) target_semaphore(%run_scoped3A : memref<!tpu.dma_semaphore, #tpu.memory_space<semaphore_mem>>)
      %dma_wait3A_37 = arith.constant 0 : i32
      %dma_wait3A_38 = tpu.memref_slice %arg4[%add3A_10, %dma_wait3A_37] : memref<81920x128xf32, #tpu.memory_space<hbm>> -> memref<640x128xf32, #tpu.memory_space<hbm>>
      %dma_wait3A_39 = arith.constant 0 : i32
      %dma_wait3A_40 = tpu.memref_slice %arg4[%add3A_10, %dma_wait3A_39] : memref<81920x128xf32, #tpu.memory_space<hbm>> -> memref<640x128xf32, #tpu.memory_space<hbm>>
      tpu.wait_dma2 semaphore(%run_scoped3A : memref<!tpu.dma_semaphore, #tpu.memory_space<semaphore_mem>>) src(%arg6 : memref<640x128xf32, #tpu.memory_space<vmem>>) dst(%dma_wait3A_40 : memref<640x128xf32, #tpu.memory_space<hbm>>)
      tpu.yield
    }) : () -> ()
    %add3A_17 = arith.constant 1280 : i32
    %add3A_18 = arith.addi %mul3A_2, %add3A_17 : i32
    "tpu.region"() ({
      %run_scoped3A = tpu.sem_alloc : memref<!tpu.dma_semaphore, #tpu.memory_space<semaphore_mem>>
      %dma_start3A_33 = tpu.memref_slice %arg3[%add3A_18] : memref<81920xi32, #tpu.memory_space<hbm>> -> memref<640xi32, #tpu.memory_space<hbm>>
      %dma_start3A_34 = tpu.memref_slice %arg3[%add3A_18] : memref<81920xi32, #tpu.memory_space<hbm>> -> memref<640xi32, #tpu.memory_space<hbm>>
      tpu.enqueue_dma source(%dma_start3A_34 : memref<640xi32, #tpu.memory_space<hbm>>) target(%arg5 : memref<640xi32, #tpu.memory_space<vmem>>) target_semaphore(%run_scoped3A : memref<!tpu.dma_semaphore, #tpu.memory_space<semaphore_mem>>)
      %dma_wait3A_35 = tpu.memref_slice %arg3[%add3A_18] : memref<81920xi32, #tpu.memory_space<hbm>> -> memref<640xi32, #tpu.memory_space<hbm>>
      %dma_wait3A_36 = tpu.memref_slice %arg3[%add3A_18] : memref<81920xi32, #tpu.memory_space<hbm>> -> memref<640xi32, #tpu.memory_space<hbm>>
      tpu.wait_dma2 semaphore(%run_scoped3A : memref<!tpu.dma_semaphore, #tpu.memory_space<semaphore_mem>>) src(%dma_wait3A_36 : memref<640xi32, #tpu.memory_space<hbm>>) dst(%arg5 : memref<640xi32, #tpu.memory_space<vmem>>)
      tpu.yield
    }) : () -> ()
    %dma_start3A_19 = arith.constant 0 : i32
    %dma_start3A_20 = arith.constant 0 : i32
    %dma_start3A_21 = tpu.memref_slice %arg2[%dma_start3A_19, %dma_start3A_20] : memref<100000x128xf32, #tpu.memory_space<hbm>> -> memref<100000x128xf32, #tpu.memory_space<hbm>>
    tpu.enqueue_indirect_dma source(%dma_start3A_21 : memref<100000x128xf32, #tpu.memory_space<hbm>>) target(%arg6 : memref<640x128xf32, #tpu.memory_space<vmem>>) offsets(%arg5 : memref<640xi32, #tpu.memory_space<vmem>>) semaphore(%arg7 : memref<!tpu.dma_semaphore, #tpu.memory_space<semaphore_mem>>)
    %dma_wait3A_22 = arith.constant 0 : i32
    %dma_wait3A_23 = arith.constant 0 : i32
    %dma_wait3A_24 = tpu.memref_slice %arg2[%dma_wait3A_22, %dma_wait3A_23] : memref<100000x128xf32, #tpu.memory_space<hbm>> -> memref<100000x128xf32, #tpu.memory_space<hbm>>
    tpu.wait_indirect_dma semaphore(%arg7 : memref<!tpu.dma_semaphore, #tpu.memory_space<semaphore_mem>>) src(%dma_wait3A_24 : memref<100000x128xf32, #tpu.memory_space<hbm>>) dst(%arg6 : memref<640x128xf32, #tpu.memory_space<vmem>>)
    "tpu.region"() ({
      %run_scoped3A = tpu.sem_alloc : memref<!tpu.dma_semaphore, #tpu.memory_space<semaphore_mem>>
      %dma_start3A_33 = arith.constant 0 : i32
      %dma_start3A_34 = tpu.memref_slice %arg4[%add3A_18, %dma_start3A_33] : memref<81920x128xf32, #tpu.memory_space<hbm>> -> memref<640x128xf32, #tpu.memory_space<hbm>>
      %dma_start3A_35 = arith.constant 0 : i32
      %dma_start3A_36 = tpu.memref_slice %arg4[%add3A_18, %dma_start3A_35] : memref<81920x128xf32, #tpu.memory_space<hbm>> -> memref<640x128xf32, #tpu.memory_space<hbm>>
      tpu.enqueue_dma source(%arg6 : memref<640x128xf32, #tpu.memory_space<vmem>>) target(%dma_start3A_36 : memref<640x128xf32, #tpu.memory_space<hbm>>) target_semaphore(%run_scoped3A : memref<!tpu.dma_semaphore, #tpu.memory_space<semaphore_mem>>)
      %dma_wait3A_37 = arith.constant 0 : i32
      %dma_wait3A_38 = tpu.memref_slice %arg4[%add3A_18, %dma_wait3A_37] : memref<81920x128xf32, #tpu.memory_space<hbm>> -> memref<640x128xf32, #tpu.memory_space<hbm>>
      %dma_wait3A_39 = arith.constant 0 : i32
      %dma_wait3A_40 = tpu.memref_slice %arg4[%add3A_18, %dma_wait3A_39] : memref<81920x128xf32, #tpu.memory_space<hbm>> -> memref<640x128xf32, #tpu.memory_space<hbm>>
      tpu.wait_dma2 semaphore(%run_scoped3A : memref<!tpu.dma_semaphore, #tpu.memory_space<semaphore_mem>>) src(%arg6 : memref<640x128xf32, #tpu.memory_space<vmem>>) dst(%dma_wait3A_40 : memref<640x128xf32, #tpu.memory_space<hbm>>)
      tpu.yield
    }) : () -> ()
    %add3A_25 = arith.constant 1920 : i32
    %add3A_26 = arith.addi %mul3A_2, %add3A_25 : i32
    "tpu.region"() ({
      %run_scoped3A = tpu.sem_alloc : memref<!tpu.dma_semaphore, #tpu.memory_space<semaphore_mem>>
      %dma_start3A_33 = tpu.memref_slice %arg3[%add3A_26] : memref<81920xi32, #tpu.memory_space<hbm>> -> memref<640xi32, #tpu.memory_space<hbm>>
      %dma_start3A_34 = tpu.memref_slice %arg3[%add3A_26] : memref<81920xi32, #tpu.memory_space<hbm>> -> memref<640xi32, #tpu.memory_space<hbm>>
      tpu.enqueue_dma source(%dma_start3A_34 : memref<640xi32, #tpu.memory_space<hbm>>) target(%arg5 : memref<640xi32, #tpu.memory_space<vmem>>) target_semaphore(%run_scoped3A : memref<!tpu.dma_semaphore, #tpu.memory_space<semaphore_mem>>)
      %dma_wait3A_35 = tpu.memref_slice %arg3[%add3A_26] : memref<81920xi32, #tpu.memory_space<hbm>> -> memref<640xi32, #tpu.memory_space<hbm>>
      %dma_wait3A_36 = tpu.memref_slice %arg3[%add3A_26] : memref<81920xi32, #tpu.memory_space<hbm>> -> memref<640xi32, #tpu.memory_space<hbm>>
      tpu.wait_dma2 semaphore(%run_scoped3A : memref<!tpu.dma_semaphore, #tpu.memory_space<semaphore_mem>>) src(%dma_wait3A_36 : memref<640xi32, #tpu.memory_space<hbm>>) dst(%arg5 : memref<640xi32, #tpu.memory_space<vmem>>)
      tpu.yield
    }) : () -> ()
    %dma_start3A_27 = arith.constant 0 : i32
    %dma_start3A_28 = arith.constant 0 : i32
    %dma_start3A_29 = tpu.memref_slice %arg2[%dma_start3A_27, %dma_start3A_28] : memref<100000x128xf32, #tpu.memory_space<hbm>> -> memref<100000x128xf32, #tpu.memory_space<hbm>>
    tpu.enqueue_indirect_dma source(%dma_start3A_29 : memref<100000x128xf32, #tpu.memory_space<hbm>>) target(%arg6 : memref<640x128xf32, #tpu.memory_space<vmem>>) offsets(%arg5 : memref<640xi32, #tpu.memory_space<vmem>>) semaphore(%arg7 : memref<!tpu.dma_semaphore, #tpu.memory_space<semaphore_mem>>)
    %dma_wait3A_30 = arith.constant 0 : i32
    %dma_wait3A_31 = arith.constant 0 : i32
    %dma_wait3A_32 = tpu.memref_slice %arg2[%dma_wait3A_30, %dma_wait3A_31] : memref<100000x128xf32, #tpu.memory_space<hbm>> -> memref<100000x128xf32, #tpu.memory_space<hbm>>
    tpu.wait_indirect_dma semaphore(%arg7 : memref<!tpu.dma_semaphore, #tpu.memory_space<semaphore_mem>>) src(%dma_wait3A_32 : memref<100000x128xf32, #tpu.memory_space<hbm>>) dst(%arg6 : memref<640x128xf32, #tpu.memory_space<vmem>>)
    "tpu.region"() ({
      %run_scoped3A = tpu.sem_alloc : memref<!tpu.dma_semaphore, #tpu.memory_space<semaphore_mem>>
      %dma_start3A_33 = arith.constant 0 : i32
      %dma_start3A_34 = tpu.memref_slice %arg4[%add3A_26, %dma_start3A_33] : memref<81920x128xf32, #tpu.memory_space<hbm>> -> memref<640x128xf32, #tpu.memory_space<hbm>>
      %dma_start3A_35 = arith.constant 0 : i32
      %dma_start3A_36 = tpu.memref_slice %arg4[%add3A_26, %dma_start3A_35] : memref<81920x128xf32, #tpu.memory_space<hbm>> -> memref<640x128xf32, #tpu.memory_space<hbm>>
      tpu.enqueue_dma source(%arg6 : memref<640x128xf32, #tpu.memory_space<vmem>>) target(%dma_start3A_36 : memref<640x128xf32, #tpu.memory_space<hbm>>) target_semaphore(%run_scoped3A : memref<!tpu.dma_semaphore, #tpu.memory_space<semaphore_mem>>)
      %dma_wait3A_37 = arith.constant 0 : i32
      %dma_wait3A_38 = tpu.memref_slice %arg4[%add3A_26, %dma_wait3A_37] : memref<81920x128xf32, #tpu.memory_space<hbm>> -> memref<640x128xf32, #tpu.memory_space<hbm>>
      %dma_wait3A_39 = arith.constant 0 : i32
      %dma_wait3A_40 = tpu.memref_slice %arg4[%add3A_26, %dma_wait3A_39] : memref<81920x128xf32, #tpu.memory_space<hbm>> -> memref<640x128xf32, #tpu.memory_space<hbm>>
      tpu.wait_dma2 semaphore(%run_scoped3A : memref<!tpu.dma_semaphore, #tpu.memory_space<semaphore_mem>>) src(%arg6 : memref<640x128xf32, #tpu.memory_space<vmem>>) dst(%dma_wait3A_40 : memref<640x128xf32, #tpu.memory_space<hbm>>)
      tpu.yield
    }) : () -> ()
    return
  }
}

module attributes {stable_mosaic.version = 14 : i64} {
  func.func @body(%arg0: i32, %arg1: i32, %arg2: memref<4096x512xf32, #tpu.memory_space<vmem>>, %arg3: memref<2048x512xf32, #tpu.memory_space<vmem>>, %arg4: memref<16x256x128xf32, #tpu.memory_space<vmem>>, %arg5: memref<16x256xf32, #tpu.memory_space<vmem>>) attributes {dimension_semantics = [#tpu.dimension_semantics<arbitrary>, #tpu.dimension_semantics<arbitrary>], iteration_bounds = array<i64: 49, 16>, scalar_prefetch = 0 : i64, scratch_operands = 0 : i64, tpu.core_type = #tpu.core_type<tc>, window_params = [{pipeline_mode = #tpu.pipeline_mode<synchronous>, transform_indices = @transform_0, window_bounds = array<i64: 4096, 512>}, {transform_indices = @transform_1, window_bounds = array<i64: 2048, 512>}, {transform_indices = @transform_2, window_bounds = array<i64: 16, 256, 128>}, {transform_indices = @transform_3, window_bounds = array<i64: 16, 256>}]} {
    %mul3A = arith.constant 256 : i32
    %mul3A_0 = arith.muli %arg1, %mul3A : i32
    %get3A = arith.index_cast %mul3A_0 : i32 to index
    %get3A_1 = arith.constant 0 : index
    %get3A_2 = vector.load %arg2[%get3A, %get3A_1] : memref<4096x512xf32, #tpu.memory_space<vmem>>, vector<256x512xf32>
    %get3A_3 = arith.constant 0 : index
    %get3A_4 = arith.constant 0 : index
    %get3A_5 = vector.load %arg3[%get3A_3, %get3A_4] : memref<2048x512xf32, #tpu.memory_space<vmem>>, vector<2048x512xf32>
    %dot_general3A = arith.constant dense<0.000000e+00> : vector<256x2048xf32>
    %dot_general3A_6 = tpu.matmul %get3A_2, %get3A_5, %dot_general3A {dimension_numbers = #tpu.dot_dimension_numbers<[1], [1], [0], [0], [0, 0, 1, 0], [], []>, transpose_lhs_hint = false} : vector<256x512xf32>, vector<2048x512xf32>, vector<256x2048xf32> -> vector<256x2048xf32>
    %get3A_7 = arith.constant 0 : index
    %get3A_8 = arith.constant 0 : index
    %get3A_9 = vector.load %arg3[%get3A_7, %get3A_8] : memref<2048x512xf32, #tpu.memory_space<vmem>>, vector<2048x512xf32>
    %dot_general3A_10 = arith.constant dense<0.000000e+00> : vector<2048x256xf32>
    %dot_general3A_11 = tpu.matmul %get3A_9, %get3A_2, %dot_general3A_10 {dimension_numbers = #tpu.dot_dimension_numbers<[1], [1], [0], [0], [0, 0, 1, 0], [], []>, transpose_lhs_hint = false} : vector<2048x512xf32>, vector<256x512xf32>, vector<2048x256xf32> -> vector<2048x256xf32>
    %slice3A = vector.extract_strided_slice %dot_general3A_6 {offsets = [0, 0], sizes = [256, 128], strides = [1, 1]} : vector<256x2048xf32> to vector<256x128xf32>
    %swap3A = arith.constant 0 : index
    %swap3A_12 = arith.constant 0 : index
    %swap3A_13 = arith.constant 0 : index
    %swap3A_14 = vector.load %arg4[%swap3A, %swap3A_12, %swap3A_13] : memref<16x256x128xf32, #tpu.memory_space<vmem>>, vector<1x256x128xf32>
    %swap3A_15 = vector.shape_cast %swap3A_14 : vector<1x256x128xf32> to vector<256x128xf32>
    %swap3A_16 = vector.shape_cast %slice3A : vector<256x128xf32> to vector<1x256x128xf32>
    tpu.vector_store %arg4[%swap3A, %swap3A_12, %swap3A_13], %swap3A_16 {strides = array<i32>} : memref<16x256x128xf32, #tpu.memory_space<vmem>>, vector<1x256x128xf32>,
    %slice3A_17 = vector.extract_strided_slice %dot_general3A_11 {offsets = [0, 0], sizes = [128, 256], strides = [1, 1]} : vector<2048x256xf32> to vector<128x256xf32>
    %reduce_max3A = arith.constant dense<0xFF800000> : vector<256xf32>
    %reduce_max3A_18 = vector.multi_reduction <maximumf>, %slice3A_17, %reduce_max3A [0] : vector<128x256xf32> to vector<256xf32>
    %broadcast_in_dim3A = vector.shape_cast %reduce_max3A_18 : vector<256xf32> to vector<1x256xf32>
    %slice3A_19 = vector.extract_strided_slice %dot_general3A_6 {offsets = [0, 128], sizes = [256, 128], strides = [1, 1]} : vector<256x2048xf32> to vector<256x128xf32>
    %swap3A_20 = arith.constant 1 : index
    %swap3A_21 = arith.constant 0 : index
    %swap3A_22 = arith.constant 0 : index
    %swap3A_23 = vector.load %arg4[%swap3A_20, %swap3A_21, %swap3A_22] : memref<16x256x128xf32, #tpu.memory_space<vmem>>, vector<1x256x128xf32>
    %swap3A_24 = vector.shape_cast %swap3A_23 : vector<1x256x128xf32> to vector<256x128xf32>
    %swap3A_25 = vector.shape_cast %slice3A_19 : vector<256x128xf32> to vector<1x256x128xf32>
    tpu.vector_store %arg4[%swap3A_20, %swap3A_21, %swap3A_22], %swap3A_25 {strides = array<i32>} : memref<16x256x128xf32, #tpu.memory_space<vmem>>, vector<1x256x128xf32>,
    %slice3A_26 = vector.extract_strided_slice %dot_general3A_11 {offsets = [128, 0], sizes = [128, 256], strides = [1, 1]} : vector<2048x256xf32> to vector<128x256xf32>
    %reduce_max3A_27 = arith.constant dense<0xFF800000> : vector<256xf32>
    %reduce_max3A_28 = vector.multi_reduction <maximumf>, %slice3A_26, %reduce_max3A_27 [0] : vector<128x256xf32> to vector<256xf32>
    %broadcast_in_dim3A_29 = vector.shape_cast %reduce_max3A_28 : vector<256xf32> to vector<1x256xf32>
    %slice3A_30 = vector.extract_strided_slice %dot_general3A_6 {offsets = [0, 256], sizes = [256, 128], strides = [1, 1]} : vector<256x2048xf32> to vector<256x128xf32>
    %swap3A_31 = arith.constant 2 : index
    %swap3A_32 = arith.constant 0 : index
    %swap3A_33 = arith.constant 0 : index
    %swap3A_34 = vector.load %arg4[%swap3A_31, %swap3A_32, %swap3A_33] : memref<16x256x128xf32, #tpu.memory_space<vmem>>, vector<1x256x128xf32>
    %swap3A_35 = vector.shape_cast %swap3A_34 : vector<1x256x128xf32> to vector<256x128xf32>
    %swap3A_36 = vector.shape_cast %slice3A_30 : vector<256x128xf32> to vector<1x256x128xf32>
    tpu.vector_store %arg4[%swap3A_31, %swap3A_32, %swap3A_33], %swap3A_36 {strides = array<i32>} : memref<16x256x128xf32, #tpu.memory_space<vmem>>, vector<1x256x128xf32>,
    %slice3A_37 = vector.extract_strided_slice %dot_general3A_11 {offsets = [256, 0], sizes = [128, 256], strides = [1, 1]} : vector<2048x256xf32> to vector<128x256xf32>
    %reduce_max3A_38 = arith.constant dense<0xFF800000> : vector<256xf32>
    %reduce_max3A_39 = vector.multi_reduction <maximumf>, %slice3A_37, %reduce_max3A_38 [0] : vector<128x256xf32> to vector<256xf32>
    %broadcast_in_dim3A_40 = vector.shape_cast %reduce_max3A_39 : vector<256xf32> to vector<1x256xf32>
    %slice3A_41 = vector.extract_strided_slice %dot_general3A_6 {offsets = [0, 384], sizes = [256, 128], strides = [1, 1]} : vector<256x2048xf32> to vector<256x128xf32>
    %swap3A_42 = arith.constant 3 : index
    %swap3A_43 = arith.constant 0 : index
    %swap3A_44 = arith.constant 0 : index
    %swap3A_45 = vector.load %arg4[%swap3A_42, %swap3A_43, %swap3A_44] : memref<16x256x128xf32, #tpu.memory_space<vmem>>, vector<1x256x128xf32>
    %swap3A_46 = vector.shape_cast %swap3A_45 : vector<1x256x128xf32> to vector<256x128xf32>
    %swap3A_47 = vector.shape_cast %slice3A_41 : vector<256x128xf32> to vector<1x256x128xf32>
    tpu.vector_store %arg4[%swap3A_42, %swap3A_43, %swap3A_44], %swap3A_47 {strides = array<i32>} : memref<16x256x128xf32, #tpu.memory_space<vmem>>, vector<1x256x128xf32>,
    %slice3A_48 = vector.extract_strided_slice %dot_general3A_11 {offsets = [384, 0], sizes = [128, 256], strides = [1, 1]} : vector<2048x256xf32> to vector<128x256xf32>
    %reduce_max3A_49 = arith.constant dense<0xFF800000> : vector<256xf32>
    %reduce_max3A_50 = vector.multi_reduction <maximumf>, %slice3A_48, %reduce_max3A_49 [0] : vector<128x256xf32> to vector<256xf32>
    %broadcast_in_dim3A_51 = vector.shape_cast %reduce_max3A_50 : vector<256xf32> to vector<1x256xf32>
    %slice3A_52 = vector.extract_strided_slice %dot_general3A_6 {offsets = [0, 512], sizes = [256, 128], strides = [1, 1]} : vector<256x2048xf32> to vector<256x128xf32>
    %swap3A_53 = arith.constant 4 : index
    %swap3A_54 = arith.constant 0 : index
    %swap3A_55 = arith.constant 0 : index
    %swap3A_56 = vector.load %arg4[%swap3A_53, %swap3A_54, %swap3A_55] : memref<16x256x128xf32, #tpu.memory_space<vmem>>, vector<1x256x128xf32>
    %swap3A_57 = vector.shape_cast %swap3A_56 : vector<1x256x128xf32> to vector<256x128xf32>
    %swap3A_58 = vector.shape_cast %slice3A_52 : vector<256x128xf32> to vector<1x256x128xf32>
    tpu.vector_store %arg4[%swap3A_53, %swap3A_54, %swap3A_55], %swap3A_58 {strides = array<i32>} : memref<16x256x128xf32, #tpu.memory_space<vmem>>, vector<1x256x128xf32>,
    %slice3A_59 = vector.extract_strided_slice %dot_general3A_11 {offsets = [512, 0], sizes = [128, 256], strides = [1, 1]} : vector<2048x256xf32> to vector<128x256xf32>
    %reduce_max3A_60 = arith.constant dense<0xFF800000> : vector<256xf32>
    %reduce_max3A_61 = vector.multi_reduction <maximumf>, %slice3A_59, %reduce_max3A_60 [0] : vector<128x256xf32> to vector<256xf32>
    %broadcast_in_dim3A_62 = vector.shape_cast %reduce_max3A_61 : vector<256xf32> to vector<1x256xf32>
    %slice3A_63 = vector.extract_strided_slice %dot_general3A_6 {offsets = [0, 640], sizes = [256, 128], strides = [1, 1]} : vector<256x2048xf32> to vector<256x128xf32>
    %swap3A_64 = arith.constant 5 : index
    %swap3A_65 = arith.constant 0 : index
    %swap3A_66 = arith.constant 0 : index
    %swap3A_67 = vector.load %arg4[%swap3A_64, %swap3A_65, %swap3A_66] : memref<16x256x128xf32, #tpu.memory_space<vmem>>, vector<1x256x128xf32>
    %swap3A_68 = vector.shape_cast %swap3A_67 : vector<1x256x128xf32> to vector<256x128xf32>
    %swap3A_69 = vector.shape_cast %slice3A_63 : vector<256x128xf32> to vector<1x256x128xf32>
    tpu.vector_store %arg4[%swap3A_64, %swap3A_65, %swap3A_66], %swap3A_69 {strides = array<i32>} : memref<16x256x128xf32, #tpu.memory_space<vmem>>, vector<1x256x128xf32>,
    %slice3A_70 = vector.extract_strided_slice %dot_general3A_11 {offsets = [640, 0], sizes = [128, 256], strides = [1, 1]} : vector<2048x256xf32> to vector<128x256xf32>
    %reduce_max3A_71 = arith.constant dense<0xFF800000> : vector<256xf32>
    %reduce_max3A_72 = vector.multi_reduction <maximumf>, %slice3A_70, %reduce_max3A_71 [0] : vector<128x256xf32> to vector<256xf32>
    %broadcast_in_dim3A_73 = vector.shape_cast %reduce_max3A_72 : vector<256xf32> to vector<1x256xf32>
    %slice3A_74 = vector.extract_strided_slice %dot_general3A_6 {offsets = [0, 768], sizes = [256, 128], strides = [1, 1]} : vector<256x2048xf32> to vector<256x128xf32>
    %swap3A_75 = arith.constant 6 : index
    %swap3A_76 = arith.constant 0 : index
    %swap3A_77 = arith.constant 0 : index
    %swap3A_78 = vector.load %arg4[%swap3A_75, %swap3A_76, %swap3A_77] : memref<16x256x128xf32, #tpu.memory_space<vmem>>, vector<1x256x128xf32>
    %swap3A_79 = vector.shape_cast %swap3A_78 : vector<1x256x128xf32> to vector<256x128xf32>
    %swap3A_80 = vector.shape_cast %slice3A_74 : vector<256x128xf32> to vector<1x256x128xf32>
    tpu.vector_store %arg4[%swap3A_75, %swap3A_76, %swap3A_77], %swap3A_80 {strides = array<i32>} : memref<16x256x128xf32, #tpu.memory_space<vmem>>, vector<1x256x128xf32>,
    %slice3A_81 = vector.extract_strided_slice %dot_general3A_11 {offsets = [768, 0], sizes = [128, 256], strides = [1, 1]} : vector<2048x256xf32> to vector<128x256xf32>
    %reduce_max3A_82 = arith.constant dense<0xFF800000> : vector<256xf32>
    %reduce_max3A_83 = vector.multi_reduction <maximumf>, %slice3A_81, %reduce_max3A_82 [0] : vector<128x256xf32> to vector<256xf32>
    %broadcast_in_dim3A_84 = vector.shape_cast %reduce_max3A_83 : vector<256xf32> to vector<1x256xf32>
    %slice3A_85 = vector.extract_strided_slice %dot_general3A_6 {offsets = [0, 896], sizes = [256, 128], strides = [1, 1]} : vector<256x2048xf32> to vector<256x128xf32>
    %swap3A_86 = arith.constant 7 : index
    %swap3A_87 = arith.constant 0 : index
    %swap3A_88 = arith.constant 0 : index
    %swap3A_89 = vector.load %arg4[%swap3A_86, %swap3A_87, %swap3A_88] : memref<16x256x128xf32, #tpu.memory_space<vmem>>, vector<1x256x128xf32>
    %swap3A_90 = vector.shape_cast %swap3A_89 : vector<1x256x128xf32> to vector<256x128xf32>
    %swap3A_91 = vector.shape_cast %slice3A_85 : vector<256x128xf32> to vector<1x256x128xf32>
    tpu.vector_store %arg4[%swap3A_86, %swap3A_87, %swap3A_88], %swap3A_91 {strides = array<i32>} : memref<16x256x128xf32, #tpu.memory_space<vmem>>, vector<1x256x128xf32>,
    %slice3A_92 = vector.extract_strided_slice %dot_general3A_11 {offsets = [896, 0], sizes = [128, 256], strides = [1, 1]} : vector<2048x256xf32> to vector<128x256xf32>
    %reduce_max3A_93 = arith.constant dense<0xFF800000> : vector<256xf32>
    %reduce_max3A_94 = vector.multi_reduction <maximumf>, %slice3A_92, %reduce_max3A_93 [0] : vector<128x256xf32> to vector<256xf32>
    %broadcast_in_dim3A_95 = vector.shape_cast %reduce_max3A_94 : vector<256xf32> to vector<1x256xf32>
    %slice3A_96 = vector.extract_strided_slice %dot_general3A_6 {offsets = [0, 1024], sizes = [256, 128], strides = [1, 1]} : vector<256x2048xf32> to vector<256x128xf32>
    %swap3A_97 = arith.constant 8 : index
    %swap3A_98 = arith.constant 0 : index
    %swap3A_99 = arith.constant 0 : index
    %swap3A_100 = vector.load %arg4[%swap3A_97, %swap3A_98, %swap3A_99] : memref<16x256x128xf32, #tpu.memory_space<vmem>>, vector<1x256x128xf32>
    %swap3A_101 = vector.shape_cast %swap3A_100 : vector<1x256x128xf32> to vector<256x128xf32>
    %swap3A_102 = vector.shape_cast %slice3A_96 : vector<256x128xf32> to vector<1x256x128xf32>
    tpu.vector_store %arg4[%swap3A_97, %swap3A_98, %swap3A_99], %swap3A_102 {strides = array<i32>} : memref<16x256x128xf32, #tpu.memory_space<vmem>>, vector<1x256x128xf32>,
    %slice3A_103 = vector.extract_strided_slice %dot_general3A_11 {offsets = [1024, 0], sizes = [128, 256], strides = [1, 1]} : vector<2048x256xf32> to vector<128x256xf32>
    %reduce_max3A_104 = arith.constant dense<0xFF800000> : vector<256xf32>
    %reduce_max3A_105 = vector.multi_reduction <maximumf>, %slice3A_103, %reduce_max3A_104 [0] : vector<128x256xf32> to vector<256xf32>
    %broadcast_in_dim3A_106 = vector.shape_cast %reduce_max3A_105 : vector<256xf32> to vector<1x256xf32>
    %slice3A_107 = vector.extract_strided_slice %dot_general3A_6 {offsets = [0, 1152], sizes = [256, 128], strides = [1, 1]} : vector<256x2048xf32> to vector<256x128xf32>
    %swap3A_108 = arith.constant 9 : index
    %swap3A_109 = arith.constant 0 : index
    %swap3A_110 = arith.constant 0 : index
    %swap3A_111 = vector.load %arg4[%swap3A_108, %swap3A_109, %swap3A_110] : memref<16x256x128xf32, #tpu.memory_space<vmem>>, vector<1x256x128xf32>
    %swap3A_112 = vector.shape_cast %swap3A_111 : vector<1x256x128xf32> to vector<256x128xf32>
    %swap3A_113 = vector.shape_cast %slice3A_107 : vector<256x128xf32> to vector<1x256x128xf32>
    tpu.vector_store %arg4[%swap3A_108, %swap3A_109, %swap3A_110], %swap3A_113 {strides = array<i32>} : memref<16x256x128xf32, #tpu.memory_space<vmem>>, vector<1x256x128xf32>,
    %slice3A_114 = vector.extract_strided_slice %dot_general3A_11 {offsets = [1152, 0], sizes = [128, 256], strides = [1, 1]} : vector<2048x256xf32> to vector<128x256xf32>
    %reduce_max3A_115 = arith.constant dense<0xFF800000> : vector<256xf32>
    %reduce_max3A_116 = vector.multi_reduction <maximumf>, %slice3A_114, %reduce_max3A_115 [0] : vector<128x256xf32> to vector<256xf32>
    %broadcast_in_dim3A_117 = vector.shape_cast %reduce_max3A_116 : vector<256xf32> to vector<1x256xf32>
    %slice3A_118 = vector.extract_strided_slice %dot_general3A_6 {offsets = [0, 1280], sizes = [256, 128], strides = [1, 1]} : vector<256x2048xf32> to vector<256x128xf32>
    %swap3A_119 = arith.constant 10 : index
    %swap3A_120 = arith.constant 0 : index
    %swap3A_121 = arith.constant 0 : index
    %swap3A_122 = vector.load %arg4[%swap3A_119, %swap3A_120, %swap3A_121] : memref<16x256x128xf32, #tpu.memory_space<vmem>>, vector<1x256x128xf32>
    %swap3A_123 = vector.shape_cast %swap3A_122 : vector<1x256x128xf32> to vector<256x128xf32>
    %swap3A_124 = vector.shape_cast %slice3A_118 : vector<256x128xf32> to vector<1x256x128xf32>
    tpu.vector_store %arg4[%swap3A_119, %swap3A_120, %swap3A_121], %swap3A_124 {strides = array<i32>} : memref<16x256x128xf32, #tpu.memory_space<vmem>>, vector<1x256x128xf32>,
    %slice3A_125 = vector.extract_strided_slice %dot_general3A_11 {offsets = [1280, 0], sizes = [128, 256], strides = [1, 1]} : vector<2048x256xf32> to vector<128x256xf32>
    %reduce_max3A_126 = arith.constant dense<0xFF800000> : vector<256xf32>
    %reduce_max3A_127 = vector.multi_reduction <maximumf>, %slice3A_125, %reduce_max3A_126 [0] : vector<128x256xf32> to vector<256xf32>
    %broadcast_in_dim3A_128 = vector.shape_cast %reduce_max3A_127 : vector<256xf32> to vector<1x256xf32>
    %slice3A_129 = vector.extract_strided_slice %dot_general3A_6 {offsets = [0, 1408], sizes = [256, 128], strides = [1, 1]} : vector<256x2048xf32> to vector<256x128xf32>
    %swap3A_130 = arith.constant 11 : index
    %swap3A_131 = arith.constant 0 : index
    %swap3A_132 = arith.constant 0 : index
    %swap3A_133 = vector.load %arg4[%swap3A_130, %swap3A_131, %swap3A_132] : memref<16x256x128xf32, #tpu.memory_space<vmem>>, vector<1x256x128xf32>
    %swap3A_134 = vector.shape_cast %swap3A_133 : vector<1x256x128xf32> to vector<256x128xf32>
    %swap3A_135 = vector.shape_cast %slice3A_129 : vector<256x128xf32> to vector<1x256x128xf32>
    tpu.vector_store %arg4[%swap3A_130, %swap3A_131, %swap3A_132], %swap3A_135 {strides = array<i32>} : memref<16x256x128xf32, #tpu.memory_space<vmem>>, vector<1x256x128xf32>,
    %slice3A_136 = vector.extract_strided_slice %dot_general3A_11 {offsets = [1408, 0], sizes = [128, 256], strides = [1, 1]} : vector<2048x256xf32> to vector<128x256xf32>
    %reduce_max3A_137 = arith.constant dense<0xFF800000> : vector<256xf32>
    %reduce_max3A_138 = vector.multi_reduction <maximumf>, %slice3A_136, %reduce_max3A_137 [0] : vector<128x256xf32> to vector<256xf32>
    %broadcast_in_dim3A_139 = vector.shape_cast %reduce_max3A_138 : vector<256xf32> to vector<1x256xf32>
    %slice3A_140 = vector.extract_strided_slice %dot_general3A_6 {offsets = [0, 1536], sizes = [256, 128], strides = [1, 1]} : vector<256x2048xf32> to vector<256x128xf32>
    %swap3A_141 = arith.constant 12 : index
    %swap3A_142 = arith.constant 0 : index
    %swap3A_143 = arith.constant 0 : index
    %swap3A_144 = vector.load %arg4[%swap3A_141, %swap3A_142, %swap3A_143] : memref<16x256x128xf32, #tpu.memory_space<vmem>>, vector<1x256x128xf32>
    %swap3A_145 = vector.shape_cast %swap3A_144 : vector<1x256x128xf32> to vector<256x128xf32>
    %swap3A_146 = vector.shape_cast %slice3A_140 : vector<256x128xf32> to vector<1x256x128xf32>
    tpu.vector_store %arg4[%swap3A_141, %swap3A_142, %swap3A_143], %swap3A_146 {strides = array<i32>} : memref<16x256x128xf32, #tpu.memory_space<vmem>>, vector<1x256x128xf32>,
    %slice3A_147 = vector.extract_strided_slice %dot_general3A_11 {offsets = [1536, 0], sizes = [128, 256], strides = [1, 1]} : vector<2048x256xf32> to vector<128x256xf32>
    %reduce_max3A_148 = arith.constant dense<0xFF800000> : vector<256xf32>
    %reduce_max3A_149 = vector.multi_reduction <maximumf>, %slice3A_147, %reduce_max3A_148 [0] : vector<128x256xf32> to vector<256xf32>
    %broadcast_in_dim3A_150 = vector.shape_cast %reduce_max3A_149 : vector<256xf32> to vector<1x256xf32>
    %slice3A_151 = vector.extract_strided_slice %dot_general3A_6 {offsets = [0, 1664], sizes = [256, 128], strides = [1, 1]} : vector<256x2048xf32> to vector<256x128xf32>
    %swap3A_152 = arith.constant 13 : index
    %swap3A_153 = arith.constant 0 : index
    %swap3A_154 = arith.constant 0 : index
    %swap3A_155 = vector.load %arg4[%swap3A_152, %swap3A_153, %swap3A_154] : memref<16x256x128xf32, #tpu.memory_space<vmem>>, vector<1x256x128xf32>
    %swap3A_156 = vector.shape_cast %swap3A_155 : vector<1x256x128xf32> to vector<256x128xf32>
    %swap3A_157 = vector.shape_cast %slice3A_151 : vector<256x128xf32> to vector<1x256x128xf32>
    tpu.vector_store %arg4[%swap3A_152, %swap3A_153, %swap3A_154], %swap3A_157 {strides = array<i32>} : memref<16x256x128xf32, #tpu.memory_space<vmem>>, vector<1x256x128xf32>,
    %slice3A_158 = vector.extract_strided_slice %dot_general3A_11 {offsets = [1664, 0], sizes = [128, 256], strides = [1, 1]} : vector<2048x256xf32> to vector<128x256xf32>
    %reduce_max3A_159 = arith.constant dense<0xFF800000> : vector<256xf32>
    %reduce_max3A_160 = vector.multi_reduction <maximumf>, %slice3A_158, %reduce_max3A_159 [0] : vector<128x256xf32> to vector<256xf32>
    %broadcast_in_dim3A_161 = vector.shape_cast %reduce_max3A_160 : vector<256xf32> to vector<1x256xf32>
    %slice3A_162 = vector.extract_strided_slice %dot_general3A_6 {offsets = [0, 1792], sizes = [256, 128], strides = [1, 1]} : vector<256x2048xf32> to vector<256x128xf32>
    %swap3A_163 = arith.constant 14 : index
    %swap3A_164 = arith.constant 0 : index
    %swap3A_165 = arith.constant 0 : index
    %swap3A_166 = vector.load %arg4[%swap3A_163, %swap3A_164, %swap3A_165] : memref<16x256x128xf32, #tpu.memory_space<vmem>>, vector<1x256x128xf32>
    %swap3A_167 = vector.shape_cast %swap3A_166 : vector<1x256x128xf32> to vector<256x128xf32>
    %swap3A_168 = vector.shape_cast %slice3A_162 : vector<256x128xf32> to vector<1x256x128xf32>
    tpu.vector_store %arg4[%swap3A_163, %swap3A_164, %swap3A_165], %swap3A_168 {strides = array<i32>} : memref<16x256x128xf32, #tpu.memory_space<vmem>>, vector<1x256x128xf32>,
    %slice3A_169 = vector.extract_strided_slice %dot_general3A_11 {offsets = [1792, 0], sizes = [128, 256], strides = [1, 1]} : vector<2048x256xf32> to vector<128x256xf32>
    %reduce_max3A_170 = arith.constant dense<0xFF800000> : vector<256xf32>
    %reduce_max3A_171 = vector.multi_reduction <maximumf>, %slice3A_169, %reduce_max3A_170 [0] : vector<128x256xf32> to vector<256xf32>
    %broadcast_in_dim3A_172 = vector.shape_cast %reduce_max3A_171 : vector<256xf32> to vector<1x256xf32>
    %slice3A_173 = vector.extract_strided_slice %dot_general3A_6 {offsets = [0, 1920], sizes = [256, 128], strides = [1, 1]} : vector<256x2048xf32> to vector<256x128xf32>
    %swap3A_174 = arith.constant 15 : index
    %swap3A_175 = arith.constant 0 : index
    %swap3A_176 = arith.constant 0 : index
    %swap3A_177 = vector.load %arg4[%swap3A_174, %swap3A_175, %swap3A_176] : memref<16x256x128xf32, #tpu.memory_space<vmem>>, vector<1x256x128xf32>
    %swap3A_178 = vector.shape_cast %swap3A_177 : vector<1x256x128xf32> to vector<256x128xf32>
    %swap3A_179 = vector.shape_cast %slice3A_173 : vector<256x128xf32> to vector<1x256x128xf32>
    tpu.vector_store %arg4[%swap3A_174, %swap3A_175, %swap3A_176], %swap3A_179 {strides = array<i32>} : memref<16x256x128xf32, #tpu.memory_space<vmem>>, vector<1x256x128xf32>,
    %slice3A_180 = vector.extract_strided_slice %dot_general3A_11 {offsets = [1920, 0], sizes = [128, 256], strides = [1, 1]} : vector<2048x256xf32> to vector<128x256xf32>
    %reduce_max3A_181 = arith.constant dense<0xFF800000> : vector<256xf32>
    %reduce_max3A_182 = vector.multi_reduction <maximumf>, %slice3A_180, %reduce_max3A_181 [0] : vector<128x256xf32> to vector<256xf32>
    %broadcast_in_dim3A_183 = vector.shape_cast %reduce_max3A_182 : vector<256xf32> to vector<1x256xf32>
    %concatenate3A = tpu.concatenate %broadcast_in_dim3A, %broadcast_in_dim3A_29, %broadcast_in_dim3A_40, %broadcast_in_dim3A_51, %broadcast_in_dim3A_62, %broadcast_in_dim3A_73, %broadcast_in_dim3A_84, %broadcast_in_dim3A_95, %broadcast_in_dim3A_106, %broadcast_in_dim3A_117, %broadcast_in_dim3A_128, %broadcast_in_dim3A_139, %broadcast_in_dim3A_150, %broadcast_in_dim3A_161, %broadcast_in_dim3A_172, %broadcast_in_dim3A_183 in 0 : vector<1x256xf32>, vector<1x256xf32>, vector<1x256xf32>, vector<1x256xf32>, vector<1x256xf32>, vector<1x256xf32>, vector<1x256xf32>, vector<1x256xf32>, vector<1x256xf32>, vector<1x256xf32>, vector<1x256xf32>, vector<1x256xf32>, vector<1x256xf32>, vector<1x256xf32>, vector<1x256xf32>, vector<1x256xf32> -> vector<16x256xf32>
    %swap3A_184 = arith.constant 0 : index
    %swap3A_185 = arith.constant 0 : index
    %swap3A_186 = vector.load %arg5[%swap3A_184, %swap3A_185] : memref<16x256xf32, #tpu.memory_space<vmem>>, vector<16x256xf32>
    tpu.vector_store %arg5[%swap3A_184, %swap3A_185], %concatenate3A {strides = array<i32>} : memref<16x256xf32, #tpu.memory_space<vmem>>, vector<16x256xf32>,
    %eq3A = arith.constant 48 : i32
    %eq3A_187 = arith.cmpi eq, %arg0, %eq3A : i32
    %convert_element_type3A = arith.extui %eq3A_187 : i1 to i32
    %cond3A = arith.constant 0 : i32
    %cond3A_188 = arith.cmpi ne, %convert_element_type3A, %cond3A : i32
    scf.if %cond3A_188 {
      %mul3A_189 = arith.constant 2048 : i32
      %mul3A_190 = arith.muli %arg0, %mul3A_189 : i32
      %iota3A = tpu.iota {dimensions = array<i32: 1>} : vector<256x2048xi32>
      %add3A = vector.broadcast %mul3A_190 : i32 to vector<256x2048xi32>
      %add3A_191 = arith.addi %add3A, %iota3A : vector<256x2048xi32>
      %mul3A_192 = arith.constant 2048 : i32
      %mul3A_193 = arith.muli %arg0, %mul3A_192 : i32
      %iota3A_194 = tpu.iota {dimensions = array<i32: 0>} : vector<2048x256xi32>
      %add3A_195 = vector.broadcast %mul3A_193 : i32 to vector<2048x256xi32>
      %add3A_196 = arith.addi %add3A_195, %iota3A_194 : vector<2048x256xi32>
      %lt3A = arith.constant 100000 : i32
      %lt3A_197 = vector.broadcast %lt3A : i32 to vector<256x2048xi32>
      %lt3A_198 = arith.cmpi slt, %add3A_191, %lt3A_197 : vector<256x2048xi32>
      %jit3A = arith.constant -1.000000e+30 : f32
      %broadcast_in_dim3A_199 = vector.broadcast %jit3A : f32 to vector<256x2048xf32>
      %select_n3A = arith.select %lt3A_198, %dot_general3A_6, %broadcast_in_dim3A_199 : vector<256x2048xi1>, vector<256x2048xf32>
      %lt3A_200 = arith.constant 100000 : i32
      %lt3A_201 = vector.broadcast %lt3A_200 : i32 to vector<2048x256xi32>
      %lt3A_202 = arith.cmpi slt, %add3A_196, %lt3A_201 : vector<2048x256xi32>
      %jit3A_203 = arith.constant -1.000000e+30 : f32
      %broadcast_in_dim3A_204 = vector.broadcast %jit3A_203 : f32 to vector<2048x256xf32>
      %select_n3A_205 = arith.select %lt3A_202, %dot_general3A_11, %broadcast_in_dim3A_204 : vector<2048x256xi1>, vector<2048x256xf32>
      %slice3A_206 = vector.extract_strided_slice %select_n3A {offsets = [0, 0], sizes = [256, 128], strides = [1, 1]} : vector<256x2048xf32> to vector<256x128xf32>
      %swap3A_207 = arith.constant 0 : index
      %swap3A_208 = arith.constant 0 : index
      %swap3A_209 = arith.constant 0 : index
      %swap3A_210 = vector.load %arg4[%swap3A_207, %swap3A_208, %swap3A_209] : memref<16x256x128xf32, #tpu.memory_space<vmem>>, vector<1x256x128xf32>
      %swap3A_211 = vector.shape_cast %swap3A_210 : vector<1x256x128xf32> to vector<256x128xf32>
      %swap3A_212 = vector.shape_cast %slice3A_206 : vector<256x128xf32> to vector<1x256x128xf32>
      tpu.vector_store %arg4[%swap3A_207, %swap3A_208, %swap3A_209], %swap3A_212 {strides = array<i32>} : memref<16x256x128xf32, #tpu.memory_space<vmem>>, vector<1x256x128xf32>,
      %slice3A_213 = vector.extract_strided_slice %select_n3A_205 {offsets = [0, 0], sizes = [128, 256], strides = [1, 1]} : vector<2048x256xf32> to vector<128x256xf32>
      %reduce_max3A_214 = arith.constant dense<0xFF800000> : vector<256xf32>
      %reduce_max3A_215 = vector.multi_reduction <maximumf>, %slice3A_213, %reduce_max3A_214 [0] : vector<128x256xf32> to vector<256xf32>
      %broadcast_in_dim3A_216 = vector.shape_cast %reduce_max3A_215 : vector<256xf32> to vector<1x256xf32>
      %slice3A_217 = vector.extract_strided_slice %select_n3A {offsets = [0, 128], sizes = [256, 128], strides = [1, 1]} : vector<256x2048xf32> to vector<256x128xf32>
      %swap3A_218 = arith.constant 1 : index
      %swap3A_219 = arith.constant 0 : index
      %swap3A_220 = arith.constant 0 : index
      %swap3A_221 = vector.load %arg4[%swap3A_218, %swap3A_219, %swap3A_220] : memref<16x256x128xf32, #tpu.memory_space<vmem>>, vector<1x256x128xf32>
      %swap3A_222 = vector.shape_cast %swap3A_221 : vector<1x256x128xf32> to vector<256x128xf32>
      %swap3A_223 = vector.shape_cast %slice3A_217 : vector<256x128xf32> to vector<1x256x128xf32>
      tpu.vector_store %arg4[%swap3A_218, %swap3A_219, %swap3A_220], %swap3A_223 {strides = array<i32>} : memref<16x256x128xf32, #tpu.memory_space<vmem>>, vector<1x256x128xf32>,
      %slice3A_224 = vector.extract_strided_slice %select_n3A_205 {offsets = [128, 0], sizes = [128, 256], strides = [1, 1]} : vector<2048x256xf32> to vector<128x256xf32>
      %reduce_max3A_225 = arith.constant dense<0xFF800000> : vector<256xf32>
      %reduce_max3A_226 = vector.multi_reduction <maximumf>, %slice3A_224, %reduce_max3A_225 [0] : vector<128x256xf32> to vector<256xf32>
      %broadcast_in_dim3A_227 = vector.shape_cast %reduce_max3A_226 : vector<256xf32> to vector<1x256xf32>
      %slice3A_228 = vector.extract_strided_slice %select_n3A {offsets = [0, 256], sizes = [256, 128], strides = [1, 1]} : vector<256x2048xf32> to vector<256x128xf32>
      %swap3A_229 = arith.constant 2 : index
      %swap3A_230 = arith.constant 0 : index
      %swap3A_231 = arith.constant 0 : index
      %swap3A_232 = vector.load %arg4[%swap3A_229, %swap3A_230, %swap3A_231] : memref<16x256x128xf32, #tpu.memory_space<vmem>>, vector<1x256x128xf32>
      %swap3A_233 = vector.shape_cast %swap3A_232 : vector<1x256x128xf32> to vector<256x128xf32>
      %swap3A_234 = vector.shape_cast %slice3A_228 : vector<256x128xf32> to vector<1x256x128xf32>
      tpu.vector_store %arg4[%swap3A_229, %swap3A_230, %swap3A_231], %swap3A_234 {strides = array<i32>} : memref<16x256x128xf32, #tpu.memory_space<vmem>>, vector<1x256x128xf32>,
      %slice3A_235 = vector.extract_strided_slice %select_n3A_205 {offsets = [256, 0], sizes = [128, 256], strides = [1, 1]} : vector<2048x256xf32> to vector<128x256xf32>
      %reduce_max3A_236 = arith.constant dense<0xFF800000> : vector<256xf32>
      %reduce_max3A_237 = vector.multi_reduction <maximumf>, %slice3A_235, %reduce_max3A_236 [0] : vector<128x256xf32> to vector<256xf32>
      %broadcast_in_dim3A_238 = vector.shape_cast %reduce_max3A_237 : vector<256xf32> to vector<1x256xf32>
      %slice3A_239 = vector.extract_strided_slice %select_n3A {offsets = [0, 384], sizes = [256, 128], strides = [1, 1]} : vector<256x2048xf32> to vector<256x128xf32>
      %swap3A_240 = arith.constant 3 : index
      %swap3A_241 = arith.constant 0 : index
      %swap3A_242 = arith.constant 0 : index
      %swap3A_243 = vector.load %arg4[%swap3A_240, %swap3A_241, %swap3A_242] : memref<16x256x128xf32, #tpu.memory_space<vmem>>, vector<1x256x128xf32>
      %swap3A_244 = vector.shape_cast %swap3A_243 : vector<1x256x128xf32> to vector<256x128xf32>
      %swap3A_245 = vector.shape_cast %slice3A_239 : vector<256x128xf32> to vector<1x256x128xf32>
      tpu.vector_store %arg4[%swap3A_240, %swap3A_241, %swap3A_242], %swap3A_245 {strides = array<i32>} : memref<16x256x128xf32, #tpu.memory_space<vmem>>, vector<1x256x128xf32>,
      %slice3A_246 = vector.extract_strided_slice %select_n3A_205 {offsets = [384, 0], sizes = [128, 256], strides = [1, 1]} : vector<2048x256xf32> to vector<128x256xf32>
      %reduce_max3A_247 = arith.constant dense<0xFF800000> : vector<256xf32>
      %reduce_max3A_248 = vector.multi_reduction <maximumf>, %slice3A_246, %reduce_max3A_247 [0] : vector<128x256xf32> to vector<256xf32>
      %broadcast_in_dim3A_249 = vector.shape_cast %reduce_max3A_248 : vector<256xf32> to vector<1x256xf32>
      %slice3A_250 = vector.extract_strided_slice %select_n3A {offsets = [0, 512], sizes = [256, 128], strides = [1, 1]} : vector<256x2048xf32> to vector<256x128xf32>
      %swap3A_251 = arith.constant 4 : index
      %swap3A_252 = arith.constant 0 : index
      %swap3A_253 = arith.constant 0 : index
      %swap3A_254 = vector.load %arg4[%swap3A_251, %swap3A_252, %swap3A_253] : memref<16x256x128xf32, #tpu.memory_space<vmem>>, vector<1x256x128xf32>
      %swap3A_255 = vector.shape_cast %swap3A_254 : vector<1x256x128xf32> to vector<256x128xf32>
      %swap3A_256 = vector.shape_cast %slice3A_250 : vector<256x128xf32> to vector<1x256x128xf32>
      tpu.vector_store %arg4[%swap3A_251, %swap3A_252, %swap3A_253], %swap3A_256 {strides = array<i32>} : memref<16x256x128xf32, #tpu.memory_space<vmem>>, vector<1x256x128xf32>,
      %slice3A_257 = vector.extract_strided_slice %select_n3A_205 {offsets = [512, 0], sizes = [128, 256], strides = [1, 1]} : vector<2048x256xf32> to vector<128x256xf32>
      %reduce_max3A_258 = arith.constant dense<0xFF800000> : vector<256xf32>
      %reduce_max3A_259 = vector.multi_reduction <maximumf>, %slice3A_257, %reduce_max3A_258 [0] : vector<128x256xf32> to vector<256xf32>
      %broadcast_in_dim3A_260 = vector.shape_cast %reduce_max3A_259 : vector<256xf32> to vector<1x256xf32>
      %slice3A_261 = vector.extract_strided_slice %select_n3A {offsets = [0, 640], sizes = [256, 128], strides = [1, 1]} : vector<256x2048xf32> to vector<256x128xf32>
      %swap3A_262 = arith.constant 5 : index
      %swap3A_263 = arith.constant 0 : index
      %swap3A_264 = arith.constant 0 : index
      %swap3A_265 = vector.load %arg4[%swap3A_262, %swap3A_263, %swap3A_264] : memref<16x256x128xf32, #tpu.memory_space<vmem>>, vector<1x256x128xf32>
      %swap3A_266 = vector.shape_cast %swap3A_265 : vector<1x256x128xf32> to vector<256x128xf32>
      %swap3A_267 = vector.shape_cast %slice3A_261 : vector<256x128xf32> to vector<1x256x128xf32>
      tpu.vector_store %arg4[%swap3A_262, %swap3A_263, %swap3A_264], %swap3A_267 {strides = array<i32>} : memref<16x256x128xf32, #tpu.memory_space<vmem>>, vector<1x256x128xf32>,
      %slice3A_268 = vector.extract_strided_slice %select_n3A_205 {offsets = [640, 0], sizes = [128, 256], strides = [1, 1]} : vector<2048x256xf32> to vector<128x256xf32>
      %reduce_max3A_269 = arith.constant dense<0xFF800000> : vector<256xf32>
      %reduce_max3A_270 = vector.multi_reduction <maximumf>, %slice3A_268, %reduce_max3A_269 [0] : vector<128x256xf32> to vector<256xf32>
      %broadcast_in_dim3A_271 = vector.shape_cast %reduce_max3A_270 : vector<256xf32> to vector<1x256xf32>
      %slice3A_272 = vector.extract_strided_slice %select_n3A {offsets = [0, 768], sizes = [256, 128], strides = [1, 1]} : vector<256x2048xf32> to vector<256x128xf32>
      %swap3A_273 = arith.constant 6 : index
      %swap3A_274 = arith.constant 0 : index
      %swap3A_275 = arith.constant 0 : index
      %swap3A_276 = vector.load %arg4[%swap3A_273, %swap3A_274, %swap3A_275] : memref<16x256x128xf32, #tpu.memory_space<vmem>>, vector<1x256x128xf32>
      %swap3A_277 = vector.shape_cast %swap3A_276 : vector<1x256x128xf32> to vector<256x128xf32>
      %swap3A_278 = vector.shape_cast %slice3A_272 : vector<256x128xf32> to vector<1x256x128xf32>
      tpu.vector_store %arg4[%swap3A_273, %swap3A_274, %swap3A_275], %swap3A_278 {strides = array<i32>} : memref<16x256x128xf32, #tpu.memory_space<vmem>>, vector<1x256x128xf32>,
      %slice3A_279 = vector.extract_strided_slice %select_n3A_205 {offsets = [768, 0], sizes = [128, 256], strides = [1, 1]} : vector<2048x256xf32> to vector<128x256xf32>
      %reduce_max3A_280 = arith.constant dense<0xFF800000> : vector<256xf32>
      %reduce_max3A_281 = vector.multi_reduction <maximumf>, %slice3A_279, %reduce_max3A_280 [0] : vector<128x256xf32> to vector<256xf32>
      %broadcast_in_dim3A_282 = vector.shape_cast %reduce_max3A_281 : vector<256xf32> to vector<1x256xf32>
      %slice3A_283 = vector.extract_strided_slice %select_n3A {offsets = [0, 896], sizes = [256, 128], strides = [1, 1]} : vector<256x2048xf32> to vector<256x128xf32>
      %swap3A_284 = arith.constant 7 : index
      %swap3A_285 = arith.constant 0 : index
      %swap3A_286 = arith.constant 0 : index
      %swap3A_287 = vector.load %arg4[%swap3A_284, %swap3A_285, %swap3A_286] : memref<16x256x128xf32, #tpu.memory_space<vmem>>, vector<1x256x128xf32>
      %swap3A_288 = vector.shape_cast %swap3A_287 : vector<1x256x128xf32> to vector<256x128xf32>
      %swap3A_289 = vector.shape_cast %slice3A_283 : vector<256x128xf32> to vector<1x256x128xf32>
      tpu.vector_store %arg4[%swap3A_284, %swap3A_285, %swap3A_286], %swap3A_289 {strides = array<i32>} : memref<16x256x128xf32, #tpu.memory_space<vmem>>, vector<1x256x128xf32>,
      %slice3A_290 = vector.extract_strided_slice %select_n3A_205 {offsets = [896, 0], sizes = [128, 256], strides = [1, 1]} : vector<2048x256xf32> to vector<128x256xf32>
      %reduce_max3A_291 = arith.constant dense<0xFF800000> : vector<256xf32>
      %reduce_max3A_292 = vector.multi_reduction <maximumf>, %slice3A_290, %reduce_max3A_291 [0] : vector<128x256xf32> to vector<256xf32>
      %broadcast_in_dim3A_293 = vector.shape_cast %reduce_max3A_292 : vector<256xf32> to vector<1x256xf32>
      %slice3A_294 = vector.extract_strided_slice %select_n3A {offsets = [0, 1024], sizes = [256, 128], strides = [1, 1]} : vector<256x2048xf32> to vector<256x128xf32>
      %swap3A_295 = arith.constant 8 : index
      %swap3A_296 = arith.constant 0 : index
      %swap3A_297 = arith.constant 0 : index
      %swap3A_298 = vector.load %arg4[%swap3A_295, %swap3A_296, %swap3A_297] : memref<16x256x128xf32, #tpu.memory_space<vmem>>, vector<1x256x128xf32>
      %swap3A_299 = vector.shape_cast %swap3A_298 : vector<1x256x128xf32> to vector<256x128xf32>
      %swap3A_300 = vector.shape_cast %slice3A_294 : vector<256x128xf32> to vector<1x256x128xf32>
      tpu.vector_store %arg4[%swap3A_295, %swap3A_296, %swap3A_297], %swap3A_300 {strides = array<i32>} : memref<16x256x128xf32, #tpu.memory_space<vmem>>, vector<1x256x128xf32>,
      %slice3A_301 = vector.extract_strided_slice %select_n3A_205 {offsets = [1024, 0], sizes = [128, 256], strides = [1, 1]} : vector<2048x256xf32> to vector<128x256xf32>
      %reduce_max3A_302 = arith.constant dense<0xFF800000> : vector<256xf32>
      %reduce_max3A_303 = vector.multi_reduction <maximumf>, %slice3A_301, %reduce_max3A_302 [0] : vector<128x256xf32> to vector<256xf32>
      %broadcast_in_dim3A_304 = vector.shape_cast %reduce_max3A_303 : vector<256xf32> to vector<1x256xf32>
      %slice3A_305 = vector.extract_strided_slice %select_n3A {offsets = [0, 1152], sizes = [256, 128], strides = [1, 1]} : vector<256x2048xf32> to vector<256x128xf32>
      %swap3A_306 = arith.constant 9 : index
      %swap3A_307 = arith.constant 0 : index
      %swap3A_308 = arith.constant 0 : index
      %swap3A_309 = vector.load %arg4[%swap3A_306, %swap3A_307, %swap3A_308] : memref<16x256x128xf32, #tpu.memory_space<vmem>>, vector<1x256x128xf32>
      %swap3A_310 = vector.shape_cast %swap3A_309 : vector<1x256x128xf32> to vector<256x128xf32>
      %swap3A_311 = vector.shape_cast %slice3A_305 : vector<256x128xf32> to vector<1x256x128xf32>
      tpu.vector_store %arg4[%swap3A_306, %swap3A_307, %swap3A_308], %swap3A_311 {strides = array<i32>} : memref<16x256x128xf32, #tpu.memory_space<vmem>>, vector<1x256x128xf32>,
      %slice3A_312 = vector.extract_strided_slice %select_n3A_205 {offsets = [1152, 0], sizes = [128, 256], strides = [1, 1]} : vector<2048x256xf32> to vector<128x256xf32>
      %reduce_max3A_313 = arith.constant dense<0xFF800000> : vector<256xf32>
      %reduce_max3A_314 = vector.multi_reduction <maximumf>, %slice3A_312, %reduce_max3A_313 [0] : vector<128x256xf32> to vector<256xf32>
      %broadcast_in_dim3A_315 = vector.shape_cast %reduce_max3A_314 : vector<256xf32> to vector<1x256xf32>
      %slice3A_316 = vector.extract_strided_slice %select_n3A {offsets = [0, 1280], sizes = [256, 128], strides = [1, 1]} : vector<256x2048xf32> to vector<256x128xf32>
      %swap3A_317 = arith.constant 10 : index
      %swap3A_318 = arith.constant 0 : index
      %swap3A_319 = arith.constant 0 : index
      %swap3A_320 = vector.load %arg4[%swap3A_317, %swap3A_318, %swap3A_319] : memref<16x256x128xf32, #tpu.memory_space<vmem>>, vector<1x256x128xf32>
      %swap3A_321 = vector.shape_cast %swap3A_320 : vector<1x256x128xf32> to vector<256x128xf32>
      %swap3A_322 = vector.shape_cast %slice3A_316 : vector<256x128xf32> to vector<1x256x128xf32>
      tpu.vector_store %arg4[%swap3A_317, %swap3A_318, %swap3A_319], %swap3A_322 {strides = array<i32>} : memref<16x256x128xf32, #tpu.memory_space<vmem>>, vector<1x256x128xf32>,
      %slice3A_323 = vector.extract_strided_slice %select_n3A_205 {offsets = [1280, 0], sizes = [128, 256], strides = [1, 1]} : vector<2048x256xf32> to vector<128x256xf32>
      %reduce_max3A_324 = arith.constant dense<0xFF800000> : vector<256xf32>
      %reduce_max3A_325 = vector.multi_reduction <maximumf>, %slice3A_323, %reduce_max3A_324 [0] : vector<128x256xf32> to vector<256xf32>
      %broadcast_in_dim3A_326 = vector.shape_cast %reduce_max3A_325 : vector<256xf32> to vector<1x256xf32>
      %slice3A_327 = vector.extract_strided_slice %select_n3A {offsets = [0, 1408], sizes = [256, 128], strides = [1, 1]} : vector<256x2048xf32> to vector<256x128xf32>
      %swap3A_328 = arith.constant 11 : index
      %swap3A_329 = arith.constant 0 : index
      %swap3A_330 = arith.constant 0 : index
      %swap3A_331 = vector.load %arg4[%swap3A_328, %swap3A_329, %swap3A_330] : memref<16x256x128xf32, #tpu.memory_space<vmem>>, vector<1x256x128xf32>
      %swap3A_332 = vector.shape_cast %swap3A_331 : vector<1x256x128xf32> to vector<256x128xf32>
      %swap3A_333 = vector.shape_cast %slice3A_327 : vector<256x128xf32> to vector<1x256x128xf32>
      tpu.vector_store %arg4[%swap3A_328, %swap3A_329, %swap3A_330], %swap3A_333 {strides = array<i32>} : memref<16x256x128xf32, #tpu.memory_space<vmem>>, vector<1x256x128xf32>,
      %slice3A_334 = vector.extract_strided_slice %select_n3A_205 {offsets = [1408, 0], sizes = [128, 256], strides = [1, 1]} : vector<2048x256xf32> to vector<128x256xf32>
      %reduce_max3A_335 = arith.constant dense<0xFF800000> : vector<256xf32>
      %reduce_max3A_336 = vector.multi_reduction <maximumf>, %slice3A_334, %reduce_max3A_335 [0] : vector<128x256xf32> to vector<256xf32>
      %broadcast_in_dim3A_337 = vector.shape_cast %reduce_max3A_336 : vector<256xf32> to vector<1x256xf32>
      %slice3A_338 = vector.extract_strided_slice %select_n3A {offsets = [0, 1536], sizes = [256, 128], strides = [1, 1]} : vector<256x2048xf32> to vector<256x128xf32>
      %swap3A_339 = arith.constant 12 : index
      %swap3A_340 = arith.constant 0 : index
      %swap3A_341 = arith.constant 0 : index
      %swap3A_342 = vector.load %arg4[%swap3A_339, %swap3A_340, %swap3A_341] : memref<16x256x128xf32, #tpu.memory_space<vmem>>, vector<1x256x128xf32>
      %swap3A_343 = vector.shape_cast %swap3A_342 : vector<1x256x128xf32> to vector<256x128xf32>
      %swap3A_344 = vector.shape_cast %slice3A_338 : vector<256x128xf32> to vector<1x256x128xf32>
      tpu.vector_store %arg4[%swap3A_339, %swap3A_340, %swap3A_341], %swap3A_344 {strides = array<i32>} : memref<16x256x128xf32, #tpu.memory_space<vmem>>, vector<1x256x128xf32>,
      %slice3A_345 = vector.extract_strided_slice %select_n3A_205 {offsets = [1536, 0], sizes = [128, 256], strides = [1, 1]} : vector<2048x256xf32> to vector<128x256xf32>
      %reduce_max3A_346 = arith.constant dense<0xFF800000> : vector<256xf32>
      %reduce_max3A_347 = vector.multi_reduction <maximumf>, %slice3A_345, %reduce_max3A_346 [0] : vector<128x256xf32> to vector<256xf32>
      %broadcast_in_dim3A_348 = vector.shape_cast %reduce_max3A_347 : vector<256xf32> to vector<1x256xf32>
      %slice3A_349 = vector.extract_strided_slice %select_n3A {offsets = [0, 1664], sizes = [256, 128], strides = [1, 1]} : vector<256x2048xf32> to vector<256x128xf32>
      %swap3A_350 = arith.constant 13 : index
      %swap3A_351 = arith.constant 0 : index
      %swap3A_352 = arith.constant 0 : index
      %swap3A_353 = vector.load %arg4[%swap3A_350, %swap3A_351, %swap3A_352] : memref<16x256x128xf32, #tpu.memory_space<vmem>>, vector<1x256x128xf32>
      %swap3A_354 = vector.shape_cast %swap3A_353 : vector<1x256x128xf32> to vector<256x128xf32>
      %swap3A_355 = vector.shape_cast %slice3A_349 : vector<256x128xf32> to vector<1x256x128xf32>
      tpu.vector_store %arg4[%swap3A_350, %swap3A_351, %swap3A_352], %swap3A_355 {strides = array<i32>} : memref<16x256x128xf32, #tpu.memory_space<vmem>>, vector<1x256x128xf32>,
      %slice3A_356 = vector.extract_strided_slice %select_n3A_205 {offsets = [1664, 0], sizes = [128, 256], strides = [1, 1]} : vector<2048x256xf32> to vector<128x256xf32>
      %reduce_max3A_357 = arith.constant dense<0xFF800000> : vector<256xf32>
      %reduce_max3A_358 = vector.multi_reduction <maximumf>, %slice3A_356, %reduce_max3A_357 [0] : vector<128x256xf32> to vector<256xf32>
      %broadcast_in_dim3A_359 = vector.shape_cast %reduce_max3A_358 : vector<256xf32> to vector<1x256xf32>
      %slice3A_360 = vector.extract_strided_slice %select_n3A {offsets = [0, 1792], sizes = [256, 128], strides = [1, 1]} : vector<256x2048xf32> to vector<256x128xf32>
      %swap3A_361 = arith.constant 14 : index
      %swap3A_362 = arith.constant 0 : index
      %swap3A_363 = arith.constant 0 : index
      %swap3A_364 = vector.load %arg4[%swap3A_361, %swap3A_362, %swap3A_363] : memref<16x256x128xf32, #tpu.memory_space<vmem>>, vector<1x256x128xf32>
      %swap3A_365 = vector.shape_cast %swap3A_364 : vector<1x256x128xf32> to vector<256x128xf32>
      %swap3A_366 = vector.shape_cast %slice3A_360 : vector<256x128xf32> to vector<1x256x128xf32>
      tpu.vector_store %arg4[%swap3A_361, %swap3A_362, %swap3A_363], %swap3A_366 {strides = array<i32>} : memref<16x256x128xf32, #tpu.memory_space<vmem>>, vector<1x256x128xf32>,
      %slice3A_367 = vector.extract_strided_slice %select_n3A_205 {offsets = [1792, 0], sizes = [128, 256], strides = [1, 1]} : vector<2048x256xf32> to vector<128x256xf32>
      %reduce_max3A_368 = arith.constant dense<0xFF800000> : vector<256xf32>
      %reduce_max3A_369 = vector.multi_reduction <maximumf>, %slice3A_367, %reduce_max3A_368 [0] : vector<128x256xf32> to vector<256xf32>
      %broadcast_in_dim3A_370 = vector.shape_cast %reduce_max3A_369 : vector<256xf32> to vector<1x256xf32>
      %slice3A_371 = vector.extract_strided_slice %select_n3A {offsets = [0, 1920], sizes = [256, 128], strides = [1, 1]} : vector<256x2048xf32> to vector<256x128xf32>
      %swap3A_372 = arith.constant 15 : index
      %swap3A_373 = arith.constant 0 : index
      %swap3A_374 = arith.constant 0 : index
      %swap3A_375 = vector.load %arg4[%swap3A_372, %swap3A_373, %swap3A_374] : memref<16x256x128xf32, #tpu.memory_space<vmem>>, vector<1x256x128xf32>
      %swap3A_376 = vector.shape_cast %swap3A_375 : vector<1x256x128xf32> to vector<256x128xf32>
      %swap3A_377 = vector.shape_cast %slice3A_371 : vector<256x128xf32> to vector<1x256x128xf32>
      tpu.vector_store %arg4[%swap3A_372, %swap3A_373, %swap3A_374], %swap3A_377 {strides = array<i32>} : memref<16x256x128xf32, #tpu.memory_space<vmem>>, vector<1x256x128xf32>,
      %slice3A_378 = vector.extract_strided_slice %select_n3A_205 {offsets = [1920, 0], sizes = [128, 256], strides = [1, 1]} : vector<2048x256xf32> to vector<128x256xf32>
      %reduce_max3A_379 = arith.constant dense<0xFF800000> : vector<256xf32>
      %reduce_max3A_380 = vector.multi_reduction <maximumf>, %slice3A_378, %reduce_max3A_379 [0] : vector<128x256xf32> to vector<256xf32>
      %broadcast_in_dim3A_381 = vector.shape_cast %reduce_max3A_380 : vector<256xf32> to vector<1x256xf32>
      %concatenate3A_382 = tpu.concatenate %broadcast_in_dim3A_216, %broadcast_in_dim3A_227, %broadcast_in_dim3A_238, %broadcast_in_dim3A_249, %broadcast_in_dim3A_260, %broadcast_in_dim3A_271, %broadcast_in_dim3A_282, %broadcast_in_dim3A_293, %broadcast_in_dim3A_304, %broadcast_in_dim3A_315, %broadcast_in_dim3A_326, %broadcast_in_dim3A_337, %broadcast_in_dim3A_348, %broadcast_in_dim3A_359, %broadcast_in_dim3A_370, %broadcast_in_dim3A_381 in 0 : vector<1x256xf32>, vector<1x256xf32>, vector<1x256xf32>, vector<1x256xf32>, vector<1x256xf32>, vector<1x256xf32>, vector<1x256xf32>, vector<1x256xf32>, vector<1x256xf32>, vector<1x256xf32>, vector<1x256xf32>, vector<1x256xf32>, vector<1x256xf32>, vector<1x256xf32>, vector<1x256xf32>, vector<1x256xf32> -> vector<16x256xf32>
      %swap3A_383 = arith.constant 0 : index
      %swap3A_384 = arith.constant 0 : index
      %swap3A_385 = vector.load %arg5[%swap3A_383, %swap3A_384] : memref<16x256xf32, #tpu.memory_space<vmem>>, vector<16x256xf32>
      tpu.vector_store %arg5[%swap3A_383, %swap3A_384], %concatenate3A_382 {strides = array<i32>} : memref<16x256xf32, #tpu.memory_space<vmem>>, vector<16x256xf32>,
    } else {
    }
    return
  }
  func.func @transform_0(%arg0: i32, %arg1: i32) -> (i32, i32) {
    %c0_i32 = arith.constant 0 : i32
    %c0_i32_0 = arith.constant 0 : i32
    %c0_i32_1 = arith.constant 0 : i32
    return %c0_i32, %c0_i32_0 : i32, i32
  }
  func.func @transform_1(%arg0: i32, %arg1: i32) -> (i32, i32) {
    %c0_i32 = arith.constant 0 : i32
    %c0_i32_0 = arith.constant 0 : i32
    return %arg0, %c0_i32 : i32, i32
  }
  func.func @transform_2(%arg0: i32, %arg1: i32) -> (i32, i32, i32) {
    %c0_i32 = arith.constant 0 : i32
    %c0_i32_0 = arith.constant 0 : i32
    return %arg0, %arg1, %c0_i32 : i32, i32, i32
  }
  func.func @transform_3(%arg0: i32, %arg1: i32) -> (i32, i32) {
    %c0_i32 = arith.constant 0 : i32
    return %arg0, %arg1 : i32, i32
  }
}

module attributes {stable_mosaic.version = 14 : i64} {
  func.func @body(%arg0: i32, %arg1: memref<784x256xf32, #tpu.memory_space<vmem>>, %arg2: memref<32x256xi32, #tpu.memory_space<vmem>>) attributes {dimension_semantics = [#tpu.dimension_semantics<arbitrary>], iteration_bounds = array<i64: 16>, scalar_prefetch = 0 : i64, scratch_operands = 0 : i64, tpu.core_type = #tpu.core_type<tc>, window_params = [{transform_indices = @transform_0, window_bounds = array<i64: 784, 256>}, {transform_indices = @transform_1, window_bounds = array<i64: 32, 256>}]} {
    %get3A = arith.constant 0 : index
    %get3A_0 = arith.constant 0 : index
    %get3A_1 = vector.load %arg1[%get3A, %get3A_0] : memref<784x256xf32, #tpu.memory_space<vmem>>, vector<784x256xf32>
    %iota3A = tpu.iota {dimensions = array<i32: 0>} : vector<784x256xi32>
    %reduce_max3A = arith.constant dense<0xFF800000> : vector<256xf32>
    %reduce_max3A_2 = vector.multi_reduction <maximumf>, %get3A_1, %reduce_max3A [0] : vector<784x256xf32> to vector<256xf32>
    %broadcast_in_dim3A = vector.shape_cast %reduce_max3A_2 : vector<256xf32> to vector<1x256xf32>
    %eq3A = vector.broadcast %broadcast_in_dim3A : vector<1x256xf32> to vector<784x256xf32>
    %eq3A_3 = arith.cmpf oeq, %get3A_1, %eq3A : vector<784x256xf32>
    %jit3A = arith.constant 1073741824 : i32
    %broadcast_in_dim3A_4 = vector.broadcast %jit3A : i32 to vector<784x256xi32>
    %select_n3A = arith.select %eq3A_3, %iota3A, %broadcast_in_dim3A_4 : vector<784x256xi1>, vector<784x256xi32>
    %reduce_min3A = arith.constant dense<2147483647> : vector<256xi32>
    %reduce_min3A_5 = vector.multi_reduction <minsi>, %select_n3A, %reduce_min3A [0] : vector<784x256xi32> to vector<256xi32>
    %broadcast_in_dim3A_6 = vector.shape_cast %reduce_min3A_5 : vector<256xi32> to vector<1x256xi32>
    %eq3A_7 = vector.broadcast %broadcast_in_dim3A_6 : vector<1x256xi32> to vector<784x256xi32>
    %eq3A_8 = arith.cmpi eq, %iota3A, %eq3A_7 : vector<784x256xi32>
    %jit3A_9 = arith.constant -1.000000e+30 : f32
    %broadcast_in_dim3A_10 = vector.broadcast %jit3A_9 : f32 to vector<784x256xf32>
    %select_n3A_11 = arith.select %eq3A_8, %broadcast_in_dim3A_10, %get3A_1 : vector<784x256xi1>, vector<784x256xf32>
    %reduce_max3A_12 = arith.constant dense<0xFF800000> : vector<256xf32>
    %reduce_max3A_13 = vector.multi_reduction <maximumf>, %select_n3A_11, %reduce_max3A_12 [0] : vector<784x256xf32> to vector<256xf32>
    %broadcast_in_dim3A_14 = vector.shape_cast %reduce_max3A_13 : vector<256xf32> to vector<1x256xf32>
    %eq3A_15 = vector.broadcast %broadcast_in_dim3A_14 : vector<1x256xf32> to vector<784x256xf32>
    %eq3A_16 = arith.cmpf oeq, %select_n3A_11, %eq3A_15 : vector<784x256xf32>
    %jit3A_17 = arith.constant 1073741824 : i32
    %broadcast_in_dim3A_18 = vector.broadcast %jit3A_17 : i32 to vector<784x256xi32>
    %select_n3A_19 = arith.select %eq3A_16, %iota3A, %broadcast_in_dim3A_18 : vector<784x256xi1>, vector<784x256xi32>
    %reduce_min3A_20 = arith.constant dense<2147483647> : vector<256xi32>
    %reduce_min3A_21 = vector.multi_reduction <minsi>, %select_n3A_19, %reduce_min3A_20 [0] : vector<784x256xi32> to vector<256xi32>
    %broadcast_in_dim3A_22 = vector.shape_cast %reduce_min3A_21 : vector<256xi32> to vector<1x256xi32>
    %eq3A_23 = vector.broadcast %broadcast_in_dim3A_22 : vector<1x256xi32> to vector<784x256xi32>
    %eq3A_24 = arith.cmpi eq, %iota3A, %eq3A_23 : vector<784x256xi32>
    %jit3A_25 = arith.constant -1.000000e+30 : f32
    %broadcast_in_dim3A_26 = vector.broadcast %jit3A_25 : f32 to vector<784x256xf32>
    %select_n3A_27 = arith.select %eq3A_24, %broadcast_in_dim3A_26, %select_n3A_11 : vector<784x256xi1>, vector<784x256xf32>
    %reduce_max3A_28 = arith.constant dense<0xFF800000> : vector<256xf32>
    %reduce_max3A_29 = vector.multi_reduction <maximumf>, %select_n3A_27, %reduce_max3A_28 [0] : vector<784x256xf32> to vector<256xf32>
    %broadcast_in_dim3A_30 = vector.shape_cast %reduce_max3A_29 : vector<256xf32> to vector<1x256xf32>
    %eq3A_31 = vector.broadcast %broadcast_in_dim3A_30 : vector<1x256xf32> to vector<784x256xf32>
    %eq3A_32 = arith.cmpf oeq, %select_n3A_27, %eq3A_31 : vector<784x256xf32>
    %jit3A_33 = arith.constant 1073741824 : i32
    %broadcast_in_dim3A_34 = vector.broadcast %jit3A_33 : i32 to vector<784x256xi32>
    %select_n3A_35 = arith.select %eq3A_32, %iota3A, %broadcast_in_dim3A_34 : vector<784x256xi1>, vector<784x256xi32>
    %reduce_min3A_36 = arith.constant dense<2147483647> : vector<256xi32>
    %reduce_min3A_37 = vector.multi_reduction <minsi>, %select_n3A_35, %reduce_min3A_36 [0] : vector<784x256xi32> to vector<256xi32>
    %broadcast_in_dim3A_38 = vector.shape_cast %reduce_min3A_37 : vector<256xi32> to vector<1x256xi32>
    %eq3A_39 = vector.broadcast %broadcast_in_dim3A_38 : vector<1x256xi32> to vector<784x256xi32>
    %eq3A_40 = arith.cmpi eq, %iota3A, %eq3A_39 : vector<784x256xi32>
    %jit3A_41 = arith.constant -1.000000e+30 : f32
    %broadcast_in_dim3A_42 = vector.broadcast %jit3A_41 : f32 to vector<784x256xf32>
    %select_n3A_43 = arith.select %eq3A_40, %broadcast_in_dim3A_42, %select_n3A_27 : vector<784x256xi1>, vector<784x256xf32>
    %reduce_max3A_44 = arith.constant dense<0xFF800000> : vector<256xf32>
    %reduce_max3A_45 = vector.multi_reduction <maximumf>, %select_n3A_43, %reduce_max3A_44 [0] : vector<784x256xf32> to vector<256xf32>
    %broadcast_in_dim3A_46 = vector.shape_cast %reduce_max3A_45 : vector<256xf32> to vector<1x256xf32>
    %eq3A_47 = vector.broadcast %broadcast_in_dim3A_46 : vector<1x256xf32> to vector<784x256xf32>
    %eq3A_48 = arith.cmpf oeq, %select_n3A_43, %eq3A_47 : vector<784x256xf32>
    %jit3A_49 = arith.constant 1073741824 : i32
    %broadcast_in_dim3A_50 = vector.broadcast %jit3A_49 : i32 to vector<784x256xi32>
    %select_n3A_51 = arith.select %eq3A_48, %iota3A, %broadcast_in_dim3A_50 : vector<784x256xi1>, vector<784x256xi32>
    %reduce_min3A_52 = arith.constant dense<2147483647> : vector<256xi32>
    %reduce_min3A_53 = vector.multi_reduction <minsi>, %select_n3A_51, %reduce_min3A_52 [0] : vector<784x256xi32> to vector<256xi32>
    %broadcast_in_dim3A_54 = vector.shape_cast %reduce_min3A_53 : vector<256xi32> to vector<1x256xi32>
    %eq3A_55 = vector.broadcast %broadcast_in_dim3A_54 : vector<1x256xi32> to vector<784x256xi32>
    %eq3A_56 = arith.cmpi eq, %iota3A, %eq3A_55 : vector<784x256xi32>
    %jit3A_57 = arith.constant -1.000000e+30 : f32
    %broadcast_in_dim3A_58 = vector.broadcast %jit3A_57 : f32 to vector<784x256xf32>
    %select_n3A_59 = arith.select %eq3A_56, %broadcast_in_dim3A_58, %select_n3A_43 : vector<784x256xi1>, vector<784x256xf32>
    %reduce_max3A_60 = arith.constant dense<0xFF800000> : vector<256xf32>
    %reduce_max3A_61 = vector.multi_reduction <maximumf>, %select_n3A_59, %reduce_max3A_60 [0] : vector<784x256xf32> to vector<256xf32>
    %broadcast_in_dim3A_62 = vector.shape_cast %reduce_max3A_61 : vector<256xf32> to vector<1x256xf32>
    %eq3A_63 = vector.broadcast %broadcast_in_dim3A_62 : vector<1x256xf32> to vector<784x256xf32>
    %eq3A_64 = arith.cmpf oeq, %select_n3A_59, %eq3A_63 : vector<784x256xf32>
    %jit3A_65 = arith.constant 1073741824 : i32
    %broadcast_in_dim3A_66 = vector.broadcast %jit3A_65 : i32 to vector<784x256xi32>
    %select_n3A_67 = arith.select %eq3A_64, %iota3A, %broadcast_in_dim3A_66 : vector<784x256xi1>, vector<784x256xi32>
    %reduce_min3A_68 = arith.constant dense<2147483647> : vector<256xi32>
    %reduce_min3A_69 = vector.multi_reduction <minsi>, %select_n3A_67, %reduce_min3A_68 [0] : vector<784x256xi32> to vector<256xi32>
    %broadcast_in_dim3A_70 = vector.shape_cast %reduce_min3A_69 : vector<256xi32> to vector<1x256xi32>
    %eq3A_71 = vector.broadcast %broadcast_in_dim3A_70 : vector<1x256xi32> to vector<784x256xi32>
    %eq3A_72 = arith.cmpi eq, %iota3A, %eq3A_71 : vector<784x256xi32>
    %jit3A_73 = arith.constant -1.000000e+30 : f32
    %broadcast_in_dim3A_74 = vector.broadcast %jit3A_73 : f32 to vector<784x256xf32>
    %select_n3A_75 = arith.select %eq3A_72, %broadcast_in_dim3A_74, %select_n3A_59 : vector<784x256xi1>, vector<784x256xf32>
    %reduce_max3A_76 = arith.constant dense<0xFF800000> : vector<256xf32>
    %reduce_max3A_77 = vector.multi_reduction <maximumf>, %select_n3A_75, %reduce_max3A_76 [0] : vector<784x256xf32> to vector<256xf32>
    %broadcast_in_dim3A_78 = vector.shape_cast %reduce_max3A_77 : vector<256xf32> to vector<1x256xf32>
    %eq3A_79 = vector.broadcast %broadcast_in_dim3A_78 : vector<1x256xf32> to vector<784x256xf32>
    %eq3A_80 = arith.cmpf oeq, %select_n3A_75, %eq3A_79 : vector<784x256xf32>
    %jit3A_81 = arith.constant 1073741824 : i32
    %broadcast_in_dim3A_82 = vector.broadcast %jit3A_81 : i32 to vector<784x256xi32>
    %select_n3A_83 = arith.select %eq3A_80, %iota3A, %broadcast_in_dim3A_82 : vector<784x256xi1>, vector<784x256xi32>
    %reduce_min3A_84 = arith.constant dense<2147483647> : vector<256xi32>
    %reduce_min3A_85 = vector.multi_reduction <minsi>, %select_n3A_83, %reduce_min3A_84 [0] : vector<784x256xi32> to vector<256xi32>
    %broadcast_in_dim3A_86 = vector.shape_cast %reduce_min3A_85 : vector<256xi32> to vector<1x256xi32>
    %eq3A_87 = vector.broadcast %broadcast_in_dim3A_86 : vector<1x256xi32> to vector<784x256xi32>
    %eq3A_88 = arith.cmpi eq, %iota3A, %eq3A_87 : vector<784x256xi32>
    %jit3A_89 = arith.constant -1.000000e+30 : f32
    %broadcast_in_dim3A_90 = vector.broadcast %jit3A_89 : f32 to vector<784x256xf32>
    %select_n3A_91 = arith.select %eq3A_88, %broadcast_in_dim3A_90, %select_n3A_75 : vector<784x256xi1>, vector<784x256xf32>
    %reduce_max3A_92 = arith.constant dense<0xFF800000> : vector<256xf32>
    %reduce_max3A_93 = vector.multi_reduction <maximumf>, %select_n3A_91, %reduce_max3A_92 [0] : vector<784x256xf32> to vector<256xf32>
    %broadcast_in_dim3A_94 = vector.shape_cast %reduce_max3A_93 : vector<256xf32> to vector<1x256xf32>
    %eq3A_95 = vector.broadcast %broadcast_in_dim3A_94 : vector<1x256xf32> to vector<784x256xf32>
    %eq3A_96 = arith.cmpf oeq, %select_n3A_91, %eq3A_95 : vector<784x256xf32>
    %jit3A_97 = arith.constant 1073741824 : i32
    %broadcast_in_dim3A_98 = vector.broadcast %jit3A_97 : i32 to vector<784x256xi32>
    %select_n3A_99 = arith.select %eq3A_96, %iota3A, %broadcast_in_dim3A_98 : vector<784x256xi1>, vector<784x256xi32>
    %reduce_min3A_100 = arith.constant dense<2147483647> : vector<256xi32>
    %reduce_min3A_101 = vector.multi_reduction <minsi>, %select_n3A_99, %reduce_min3A_100 [0] : vector<784x256xi32> to vector<256xi32>
    %broadcast_in_dim3A_102 = vector.shape_cast %reduce_min3A_101 : vector<256xi32> to vector<1x256xi32>
    %eq3A_103 = vector.broadcast %broadcast_in_dim3A_102 : vector<1x256xi32> to vector<784x256xi32>
    %eq3A_104 = arith.cmpi eq, %iota3A, %eq3A_103 : vector<784x256xi32>
    %jit3A_105 = arith.constant -1.000000e+30 : f32
    %broadcast_in_dim3A_106 = vector.broadcast %jit3A_105 : f32 to vector<784x256xf32>
    %select_n3A_107 = arith.select %eq3A_104, %broadcast_in_dim3A_106, %select_n3A_91 : vector<784x256xi1>, vector<784x256xf32>
    %reduce_max3A_108 = arith.constant dense<0xFF800000> : vector<256xf32>
    %reduce_max3A_109 = vector.multi_reduction <maximumf>, %select_n3A_107, %reduce_max3A_108 [0] : vector<784x256xf32> to vector<256xf32>
    %broadcast_in_dim3A_110 = vector.shape_cast %reduce_max3A_109 : vector<256xf32> to vector<1x256xf32>
    %eq3A_111 = vector.broadcast %broadcast_in_dim3A_110 : vector<1x256xf32> to vector<784x256xf32>
    %eq3A_112 = arith.cmpf oeq, %select_n3A_107, %eq3A_111 : vector<784x256xf32>
    %jit3A_113 = arith.constant 1073741824 : i32
    %broadcast_in_dim3A_114 = vector.broadcast %jit3A_113 : i32 to vector<784x256xi32>
    %select_n3A_115 = arith.select %eq3A_112, %iota3A, %broadcast_in_dim3A_114 : vector<784x256xi1>, vector<784x256xi32>
    %reduce_min3A_116 = arith.constant dense<2147483647> : vector<256xi32>
    %reduce_min3A_117 = vector.multi_reduction <minsi>, %select_n3A_115, %reduce_min3A_116 [0] : vector<784x256xi32> to vector<256xi32>
    %broadcast_in_dim3A_118 = vector.shape_cast %reduce_min3A_117 : vector<256xi32> to vector<1x256xi32>
    %eq3A_119 = vector.broadcast %broadcast_in_dim3A_118 : vector<1x256xi32> to vector<784x256xi32>
    %eq3A_120 = arith.cmpi eq, %iota3A, %eq3A_119 : vector<784x256xi32>
    %jit3A_121 = arith.constant -1.000000e+30 : f32
    %broadcast_in_dim3A_122 = vector.broadcast %jit3A_121 : f32 to vector<784x256xf32>
    %select_n3A_123 = arith.select %eq3A_120, %broadcast_in_dim3A_122, %select_n3A_107 : vector<784x256xi1>, vector<784x256xf32>
    %reduce_max3A_124 = arith.constant dense<0xFF800000> : vector<256xf32>
    %reduce_max3A_125 = vector.multi_reduction <maximumf>, %select_n3A_123, %reduce_max3A_124 [0] : vector<784x256xf32> to vector<256xf32>
    %broadcast_in_dim3A_126 = vector.shape_cast %reduce_max3A_125 : vector<256xf32> to vector<1x256xf32>
    %eq3A_127 = vector.broadcast %broadcast_in_dim3A_126 : vector<1x256xf32> to vector<784x256xf32>
    %eq3A_128 = arith.cmpf oeq, %select_n3A_123, %eq3A_127 : vector<784x256xf32>
    %jit3A_129 = arith.constant 1073741824 : i32
    %broadcast_in_dim3A_130 = vector.broadcast %jit3A_129 : i32 to vector<784x256xi32>
    %select_n3A_131 = arith.select %eq3A_128, %iota3A, %broadcast_in_dim3A_130 : vector<784x256xi1>, vector<784x256xi32>
    %reduce_min3A_132 = arith.constant dense<2147483647> : vector<256xi32>
    %reduce_min3A_133 = vector.multi_reduction <minsi>, %select_n3A_131, %reduce_min3A_132 [0] : vector<784x256xi32> to vector<256xi32>
    %broadcast_in_dim3A_134 = vector.shape_cast %reduce_min3A_133 : vector<256xi32> to vector<1x256xi32>
    %eq3A_135 = vector.broadcast %broadcast_in_dim3A_134 : vector<1x256xi32> to vector<784x256xi32>
    %eq3A_136 = arith.cmpi eq, %iota3A, %eq3A_135 : vector<784x256xi32>
    %jit3A_137 = arith.constant -1.000000e+30 : f32
    %broadcast_in_dim3A_138 = vector.broadcast %jit3A_137 : f32 to vector<784x256xf32>
    %select_n3A_139 = arith.select %eq3A_136, %broadcast_in_dim3A_138, %select_n3A_123 : vector<784x256xi1>, vector<784x256xf32>
    %reduce_max3A_140 = arith.constant dense<0xFF800000> : vector<256xf32>
    %reduce_max3A_141 = vector.multi_reduction <maximumf>, %select_n3A_139, %reduce_max3A_140 [0] : vector<784x256xf32> to vector<256xf32>
    %broadcast_in_dim3A_142 = vector.shape_cast %reduce_max3A_141 : vector<256xf32> to vector<1x256xf32>
    %eq3A_143 = vector.broadcast %broadcast_in_dim3A_142 : vector<1x256xf32> to vector<784x256xf32>
    %eq3A_144 = arith.cmpf oeq, %select_n3A_139, %eq3A_143 : vector<784x256xf32>
    %jit3A_145 = arith.constant 1073741824 : i32
    %broadcast_in_dim3A_146 = vector.broadcast %jit3A_145 : i32 to vector<784x256xi32>
    %select_n3A_147 = arith.select %eq3A_144, %iota3A, %broadcast_in_dim3A_146 : vector<784x256xi1>, vector<784x256xi32>
    %reduce_min3A_148 = arith.constant dense<2147483647> : vector<256xi32>
    %reduce_min3A_149 = vector.multi_reduction <minsi>, %select_n3A_147, %reduce_min3A_148 [0] : vector<784x256xi32> to vector<256xi32>
    %broadcast_in_dim3A_150 = vector.shape_cast %reduce_min3A_149 : vector<256xi32> to vector<1x256xi32>
    %eq3A_151 = vector.broadcast %broadcast_in_dim3A_150 : vector<1x256xi32> to vector<784x256xi32>
    %eq3A_152 = arith.cmpi eq, %iota3A, %eq3A_151 : vector<784x256xi32>
    %jit3A_153 = arith.constant -1.000000e+30 : f32
    %broadcast_in_dim3A_154 = vector.broadcast %jit3A_153 : f32 to vector<784x256xf32>
    %select_n3A_155 = arith.select %eq3A_152, %broadcast_in_dim3A_154, %select_n3A_139 : vector<784x256xi1>, vector<784x256xf32>
    %reduce_max3A_156 = arith.constant dense<0xFF800000> : vector<256xf32>
    %reduce_max3A_157 = vector.multi_reduction <maximumf>, %select_n3A_155, %reduce_max3A_156 [0] : vector<784x256xf32> to vector<256xf32>
    %broadcast_in_dim3A_158 = vector.shape_cast %reduce_max3A_157 : vector<256xf32> to vector<1x256xf32>
    %eq3A_159 = vector.broadcast %broadcast_in_dim3A_158 : vector<1x256xf32> to vector<784x256xf32>
    %eq3A_160 = arith.cmpf oeq, %select_n3A_155, %eq3A_159 : vector<784x256xf32>
    %jit3A_161 = arith.constant 1073741824 : i32
    %broadcast_in_dim3A_162 = vector.broadcast %jit3A_161 : i32 to vector<784x256xi32>
    %select_n3A_163 = arith.select %eq3A_160, %iota3A, %broadcast_in_dim3A_162 : vector<784x256xi1>, vector<784x256xi32>
    %reduce_min3A_164 = arith.constant dense<2147483647> : vector<256xi32>
    %reduce_min3A_165 = vector.multi_reduction <minsi>, %select_n3A_163, %reduce_min3A_164 [0] : vector<784x256xi32> to vector<256xi32>
    %broadcast_in_dim3A_166 = vector.shape_cast %reduce_min3A_165 : vector<256xi32> to vector<1x256xi32>
    %eq3A_167 = vector.broadcast %broadcast_in_dim3A_166 : vector<1x256xi32> to vector<784x256xi32>
    %eq3A_168 = arith.cmpi eq, %iota3A, %eq3A_167 : vector<784x256xi32>
    %jit3A_169 = arith.constant -1.000000e+30 : f32
    %broadcast_in_dim3A_170 = vector.broadcast %jit3A_169 : f32 to vector<784x256xf32>
    %select_n3A_171 = arith.select %eq3A_168, %broadcast_in_dim3A_170, %select_n3A_155 : vector<784x256xi1>, vector<784x256xf32>
    %reduce_max3A_172 = arith.constant dense<0xFF800000> : vector<256xf32>
    %reduce_max3A_173 = vector.multi_reduction <maximumf>, %select_n3A_171, %reduce_max3A_172 [0] : vector<784x256xf32> to vector<256xf32>
    %broadcast_in_dim3A_174 = vector.shape_cast %reduce_max3A_173 : vector<256xf32> to vector<1x256xf32>
    %eq3A_175 = vector.broadcast %broadcast_in_dim3A_174 : vector<1x256xf32> to vector<784x256xf32>
    %eq3A_176 = arith.cmpf oeq, %select_n3A_171, %eq3A_175 : vector<784x256xf32>
    %jit3A_177 = arith.constant 1073741824 : i32
    %broadcast_in_dim3A_178 = vector.broadcast %jit3A_177 : i32 to vector<784x256xi32>
    %select_n3A_179 = arith.select %eq3A_176, %iota3A, %broadcast_in_dim3A_178 : vector<784x256xi1>, vector<784x256xi32>
    %reduce_min3A_180 = arith.constant dense<2147483647> : vector<256xi32>
    %reduce_min3A_181 = vector.multi_reduction <minsi>, %select_n3A_179, %reduce_min3A_180 [0] : vector<784x256xi32> to vector<256xi32>
    %broadcast_in_dim3A_182 = vector.shape_cast %reduce_min3A_181 : vector<256xi32> to vector<1x256xi32>
    %eq3A_183 = vector.broadcast %broadcast_in_dim3A_182 : vector<1x256xi32> to vector<784x256xi32>
    %eq3A_184 = arith.cmpi eq, %iota3A, %eq3A_183 : vector<784x256xi32>
    %jit3A_185 = arith.constant -1.000000e+30 : f32
    %broadcast_in_dim3A_186 = vector.broadcast %jit3A_185 : f32 to vector<784x256xf32>
    %select_n3A_187 = arith.select %eq3A_184, %broadcast_in_dim3A_186, %select_n3A_171 : vector<784x256xi1>, vector<784x256xf32>
    %reduce_max3A_188 = arith.constant dense<0xFF800000> : vector<256xf32>
    %reduce_max3A_189 = vector.multi_reduction <maximumf>, %select_n3A_187, %reduce_max3A_188 [0] : vector<784x256xf32> to vector<256xf32>
    %broadcast_in_dim3A_190 = vector.shape_cast %reduce_max3A_189 : vector<256xf32> to vector<1x256xf32>
    %eq3A_191 = vector.broadcast %broadcast_in_dim3A_190 : vector<1x256xf32> to vector<784x256xf32>
    %eq3A_192 = arith.cmpf oeq, %select_n3A_187, %eq3A_191 : vector<784x256xf32>
    %jit3A_193 = arith.constant 1073741824 : i32
    %broadcast_in_dim3A_194 = vector.broadcast %jit3A_193 : i32 to vector<784x256xi32>
    %select_n3A_195 = arith.select %eq3A_192, %iota3A, %broadcast_in_dim3A_194 : vector<784x256xi1>, vector<784x256xi32>
    %reduce_min3A_196 = arith.constant dense<2147483647> : vector<256xi32>
    %reduce_min3A_197 = vector.multi_reduction <minsi>, %select_n3A_195, %reduce_min3A_196 [0] : vector<784x256xi32> to vector<256xi32>
    %broadcast_in_dim3A_198 = vector.shape_cast %reduce_min3A_197 : vector<256xi32> to vector<1x256xi32>
    %eq3A_199 = vector.broadcast %broadcast_in_dim3A_198 : vector<1x256xi32> to vector<784x256xi32>
    %eq3A_200 = arith.cmpi eq, %iota3A, %eq3A_199 : vector<784x256xi32>
    %jit3A_201 = arith.constant -1.000000e+30 : f32
    %broadcast_in_dim3A_202 = vector.broadcast %jit3A_201 : f32 to vector<784x256xf32>
    %select_n3A_203 = arith.select %eq3A_200, %broadcast_in_dim3A_202, %select_n3A_187 : vector<784x256xi1>, vector<784x256xf32>
    %reduce_max3A_204 = arith.constant dense<0xFF800000> : vector<256xf32>
    %reduce_max3A_205 = vector.multi_reduction <maximumf>, %select_n3A_203, %reduce_max3A_204 [0] : vector<784x256xf32> to vector<256xf32>
    %broadcast_in_dim3A_206 = vector.shape_cast %reduce_max3A_205 : vector<256xf32> to vector<1x256xf32>
    %eq3A_207 = vector.broadcast %broadcast_in_dim3A_206 : vector<1x256xf32> to vector<784x256xf32>
    %eq3A_208 = arith.cmpf oeq, %select_n3A_203, %eq3A_207 : vector<784x256xf32>
    %jit3A_209 = arith.constant 1073741824 : i32
    %broadcast_in_dim3A_210 = vector.broadcast %jit3A_209 : i32 to vector<784x256xi32>
    %select_n3A_211 = arith.select %eq3A_208, %iota3A, %broadcast_in_dim3A_210 : vector<784x256xi1>, vector<784x256xi32>
    %reduce_min3A_212 = arith.constant dense<2147483647> : vector<256xi32>
    %reduce_min3A_213 = vector.multi_reduction <minsi>, %select_n3A_211, %reduce_min3A_212 [0] : vector<784x256xi32> to vector<256xi32>
    %broadcast_in_dim3A_214 = vector.shape_cast %reduce_min3A_213 : vector<256xi32> to vector<1x256xi32>
    %eq3A_215 = vector.broadcast %broadcast_in_dim3A_214 : vector<1x256xi32> to vector<784x256xi32>
    %eq3A_216 = arith.cmpi eq, %iota3A, %eq3A_215 : vector<784x256xi32>
    %jit3A_217 = arith.constant -1.000000e+30 : f32
    %broadcast_in_dim3A_218 = vector.broadcast %jit3A_217 : f32 to vector<784x256xf32>
    %select_n3A_219 = arith.select %eq3A_216, %broadcast_in_dim3A_218, %select_n3A_203 : vector<784x256xi1>, vector<784x256xf32>
    %reduce_max3A_220 = arith.constant dense<0xFF800000> : vector<256xf32>
    %reduce_max3A_221 = vector.multi_reduction <maximumf>, %select_n3A_219, %reduce_max3A_220 [0] : vector<784x256xf32> to vector<256xf32>
    %broadcast_in_dim3A_222 = vector.shape_cast %reduce_max3A_221 : vector<256xf32> to vector<1x256xf32>
    %eq3A_223 = vector.broadcast %broadcast_in_dim3A_222 : vector<1x256xf32> to vector<784x256xf32>
    %eq3A_224 = arith.cmpf oeq, %select_n3A_219, %eq3A_223 : vector<784x256xf32>
    %jit3A_225 = arith.constant 1073741824 : i32
    %broadcast_in_dim3A_226 = vector.broadcast %jit3A_225 : i32 to vector<784x256xi32>
    %select_n3A_227 = arith.select %eq3A_224, %iota3A, %broadcast_in_dim3A_226 : vector<784x256xi1>, vector<784x256xi32>
    %reduce_min3A_228 = arith.constant dense<2147483647> : vector<256xi32>
    %reduce_min3A_229 = vector.multi_reduction <minsi>, %select_n3A_227, %reduce_min3A_228 [0] : vector<784x256xi32> to vector<256xi32>
    %broadcast_in_dim3A_230 = vector.shape_cast %reduce_min3A_229 : vector<256xi32> to vector<1x256xi32>
    %eq3A_231 = vector.broadcast %broadcast_in_dim3A_230 : vector<1x256xi32> to vector<784x256xi32>
    %eq3A_232 = arith.cmpi eq, %iota3A, %eq3A_231 : vector<784x256xi32>
    %jit3A_233 = arith.constant -1.000000e+30 : f32
    %broadcast_in_dim3A_234 = vector.broadcast %jit3A_233 : f32 to vector<784x256xf32>
    %select_n3A_235 = arith.select %eq3A_232, %broadcast_in_dim3A_234, %select_n3A_219 : vector<784x256xi1>, vector<784x256xf32>
    %reduce_max3A_236 = arith.constant dense<0xFF800000> : vector<256xf32>
    %reduce_max3A_237 = vector.multi_reduction <maximumf>, %select_n3A_235, %reduce_max3A_236 [0] : vector<784x256xf32> to vector<256xf32>
    %broadcast_in_dim3A_238 = vector.shape_cast %reduce_max3A_237 : vector<256xf32> to vector<1x256xf32>
    %eq3A_239 = vector.broadcast %broadcast_in_dim3A_238 : vector<1x256xf32> to vector<784x256xf32>
    %eq3A_240 = arith.cmpf oeq, %select_n3A_235, %eq3A_239 : vector<784x256xf32>
    %jit3A_241 = arith.constant 1073741824 : i32
    %broadcast_in_dim3A_242 = vector.broadcast %jit3A_241 : i32 to vector<784x256xi32>
    %select_n3A_243 = arith.select %eq3A_240, %iota3A, %broadcast_in_dim3A_242 : vector<784x256xi1>, vector<784x256xi32>
    %reduce_min3A_244 = arith.constant dense<2147483647> : vector<256xi32>
    %reduce_min3A_245 = vector.multi_reduction <minsi>, %select_n3A_243, %reduce_min3A_244 [0] : vector<784x256xi32> to vector<256xi32>
    %broadcast_in_dim3A_246 = vector.shape_cast %reduce_min3A_245 : vector<256xi32> to vector<1x256xi32>
    %eq3A_247 = vector.broadcast %broadcast_in_dim3A_246 : vector<1x256xi32> to vector<784x256xi32>
    %eq3A_248 = arith.cmpi eq, %iota3A, %eq3A_247 : vector<784x256xi32>
    %jit3A_249 = arith.constant -1.000000e+30 : f32
    %broadcast_in_dim3A_250 = vector.broadcast %jit3A_249 : f32 to vector<784x256xf32>
    %select_n3A_251 = arith.select %eq3A_248, %broadcast_in_dim3A_250, %select_n3A_235 : vector<784x256xi1>, vector<784x256xf32>
    %reduce_max3A_252 = arith.constant dense<0xFF800000> : vector<256xf32>
    %reduce_max3A_253 = vector.multi_reduction <maximumf>, %select_n3A_251, %reduce_max3A_252 [0] : vector<784x256xf32> to vector<256xf32>
    %broadcast_in_dim3A_254 = vector.shape_cast %reduce_max3A_253 : vector<256xf32> to vector<1x256xf32>
    %eq3A_255 = vector.broadcast %broadcast_in_dim3A_254 : vector<1x256xf32> to vector<784x256xf32>
    %eq3A_256 = arith.cmpf oeq, %select_n3A_251, %eq3A_255 : vector<784x256xf32>
    %jit3A_257 = arith.constant 1073741824 : i32
    %broadcast_in_dim3A_258 = vector.broadcast %jit3A_257 : i32 to vector<784x256xi32>
    %select_n3A_259 = arith.select %eq3A_256, %iota3A, %broadcast_in_dim3A_258 : vector<784x256xi1>, vector<784x256xi32>
    %reduce_min3A_260 = arith.constant dense<2147483647> : vector<256xi32>
    %reduce_min3A_261 = vector.multi_reduction <minsi>, %select_n3A_259, %reduce_min3A_260 [0] : vector<784x256xi32> to vector<256xi32>
    %broadcast_in_dim3A_262 = vector.shape_cast %reduce_min3A_261 : vector<256xi32> to vector<1x256xi32>
    %eq3A_263 = vector.broadcast %broadcast_in_dim3A_262 : vector<1x256xi32> to vector<784x256xi32>
    %eq3A_264 = arith.cmpi eq, %iota3A, %eq3A_263 : vector<784x256xi32>
    %jit3A_265 = arith.constant -1.000000e+30 : f32
    %broadcast_in_dim3A_266 = vector.broadcast %jit3A_265 : f32 to vector<784x256xf32>
    %select_n3A_267 = arith.select %eq3A_264, %broadcast_in_dim3A_266, %select_n3A_251 : vector<784x256xi1>, vector<784x256xf32>
    %reduce_max3A_268 = arith.constant dense<0xFF800000> : vector<256xf32>
    %reduce_max3A_269 = vector.multi_reduction <maximumf>, %select_n3A_267, %reduce_max3A_268 [0] : vector<784x256xf32> to vector<256xf32>
    %broadcast_in_dim3A_270 = vector.shape_cast %reduce_max3A_269 : vector<256xf32> to vector<1x256xf32>
    %eq3A_271 = vector.broadcast %broadcast_in_dim3A_270 : vector<1x256xf32> to vector<784x256xf32>
    %eq3A_272 = arith.cmpf oeq, %select_n3A_267, %eq3A_271 : vector<784x256xf32>
    %jit3A_273 = arith.constant 1073741824 : i32
    %broadcast_in_dim3A_274 = vector.broadcast %jit3A_273 : i32 to vector<784x256xi32>
    %select_n3A_275 = arith.select %eq3A_272, %iota3A, %broadcast_in_dim3A_274 : vector<784x256xi1>, vector<784x256xi32>
    %reduce_min3A_276 = arith.constant dense<2147483647> : vector<256xi32>
    %reduce_min3A_277 = vector.multi_reduction <minsi>, %select_n3A_275, %reduce_min3A_276 [0] : vector<784x256xi32> to vector<256xi32>
    %broadcast_in_dim3A_278 = vector.shape_cast %reduce_min3A_277 : vector<256xi32> to vector<1x256xi32>
    %eq3A_279 = vector.broadcast %broadcast_in_dim3A_278 : vector<1x256xi32> to vector<784x256xi32>
    %eq3A_280 = arith.cmpi eq, %iota3A, %eq3A_279 : vector<784x256xi32>
    %jit3A_281 = arith.constant -1.000000e+30 : f32
    %broadcast_in_dim3A_282 = vector.broadcast %jit3A_281 : f32 to vector<784x256xf32>
    %select_n3A_283 = arith.select %eq3A_280, %broadcast_in_dim3A_282, %select_n3A_267 : vector<784x256xi1>, vector<784x256xf32>
    %reduce_max3A_284 = arith.constant dense<0xFF800000> : vector<256xf32>
    %reduce_max3A_285 = vector.multi_reduction <maximumf>, %select_n3A_283, %reduce_max3A_284 [0] : vector<784x256xf32> to vector<256xf32>
    %broadcast_in_dim3A_286 = vector.shape_cast %reduce_max3A_285 : vector<256xf32> to vector<1x256xf32>
    %eq3A_287 = vector.broadcast %broadcast_in_dim3A_286 : vector<1x256xf32> to vector<784x256xf32>
    %eq3A_288 = arith.cmpf oeq, %select_n3A_283, %eq3A_287 : vector<784x256xf32>
    %jit3A_289 = arith.constant 1073741824 : i32
    %broadcast_in_dim3A_290 = vector.broadcast %jit3A_289 : i32 to vector<784x256xi32>
    %select_n3A_291 = arith.select %eq3A_288, %iota3A, %broadcast_in_dim3A_290 : vector<784x256xi1>, vector<784x256xi32>
    %reduce_min3A_292 = arith.constant dense<2147483647> : vector<256xi32>
    %reduce_min3A_293 = vector.multi_reduction <minsi>, %select_n3A_291, %reduce_min3A_292 [0] : vector<784x256xi32> to vector<256xi32>
    %broadcast_in_dim3A_294 = vector.shape_cast %reduce_min3A_293 : vector<256xi32> to vector<1x256xi32>
    %eq3A_295 = vector.broadcast %broadcast_in_dim3A_294 : vector<1x256xi32> to vector<784x256xi32>
    %eq3A_296 = arith.cmpi eq, %iota3A, %eq3A_295 : vector<784x256xi32>
    %jit3A_297 = arith.constant -1.000000e+30 : f32
    %broadcast_in_dim3A_298 = vector.broadcast %jit3A_297 : f32 to vector<784x256xf32>
    %select_n3A_299 = arith.select %eq3A_296, %broadcast_in_dim3A_298, %select_n3A_283 : vector<784x256xi1>, vector<784x256xf32>
    %reduce_max3A_300 = arith.constant dense<0xFF800000> : vector<256xf32>
    %reduce_max3A_301 = vector.multi_reduction <maximumf>, %select_n3A_299, %reduce_max3A_300 [0] : vector<784x256xf32> to vector<256xf32>
    %broadcast_in_dim3A_302 = vector.shape_cast %reduce_max3A_301 : vector<256xf32> to vector<1x256xf32>
    %eq3A_303 = vector.broadcast %broadcast_in_dim3A_302 : vector<1x256xf32> to vector<784x256xf32>
    %eq3A_304 = arith.cmpf oeq, %select_n3A_299, %eq3A_303 : vector<784x256xf32>
    %jit3A_305 = arith.constant 1073741824 : i32
    %broadcast_in_dim3A_306 = vector.broadcast %jit3A_305 : i32 to vector<784x256xi32>
    %select_n3A_307 = arith.select %eq3A_304, %iota3A, %broadcast_in_dim3A_306 : vector<784x256xi1>, vector<784x256xi32>
    %reduce_min3A_308 = arith.constant dense<2147483647> : vector<256xi32>
    %reduce_min3A_309 = vector.multi_reduction <minsi>, %select_n3A_307, %reduce_min3A_308 [0] : vector<784x256xi32> to vector<256xi32>
    %broadcast_in_dim3A_310 = vector.shape_cast %reduce_min3A_309 : vector<256xi32> to vector<1x256xi32>
    %mul3A = arith.constant 256 : i32
    %mul3A_311 = arith.muli %arg0, %mul3A : i32
    %iota3A_312 = tpu.iota {dimensions = array<i32: 1>} : vector<1x256xi32>
    %add3A = vector.broadcast %mul3A_311 : i32 to vector<1x256xi32>
    %add3A_313 = arith.addi %add3A, %iota3A_312 : vector<1x256xi32>
    %mul3A_314 = arith.constant 4096 : i32
    %mul3A_315 = vector.broadcast %mul3A_314 : i32 to vector<1x256xi32>
    %mul3A_316 = arith.muli %broadcast_in_dim3A_6, %mul3A_315 : vector<1x256xi32>
    %add3A_317 = arith.addi %mul3A_316, %add3A_313 : vector<1x256xi32>
    %mul3A_318 = arith.constant 4096 : i32
    %mul3A_319 = vector.broadcast %mul3A_318 : i32 to vector<1x256xi32>
    %mul3A_320 = arith.muli %broadcast_in_dim3A_22, %mul3A_319 : vector<1x256xi32>
    %add3A_321 = arith.addi %mul3A_320, %add3A_313 : vector<1x256xi32>
    %mul3A_322 = arith.constant 4096 : i32
    %mul3A_323 = vector.broadcast %mul3A_322 : i32 to vector<1x256xi32>
    %mul3A_324 = arith.muli %broadcast_in_dim3A_38, %mul3A_323 : vector<1x256xi32>
    %add3A_325 = arith.addi %mul3A_324, %add3A_313 : vector<1x256xi32>
    %mul3A_326 = arith.constant 4096 : i32
    %mul3A_327 = vector.broadcast %mul3A_326 : i32 to vector<1x256xi32>
    %mul3A_328 = arith.muli %broadcast_in_dim3A_54, %mul3A_327 : vector<1x256xi32>
    %add3A_329 = arith.addi %mul3A_328, %add3A_313 : vector<1x256xi32>
    %mul3A_330 = arith.constant 4096 : i32
    %mul3A_331 = vector.broadcast %mul3A_330 : i32 to vector<1x256xi32>
    %mul3A_332 = arith.muli %broadcast_in_dim3A_70, %mul3A_331 : vector<1x256xi32>
    %add3A_333 = arith.addi %mul3A_332, %add3A_313 : vector<1x256xi32>
    %mul3A_334 = arith.constant 4096 : i32
    %mul3A_335 = vector.broadcast %mul3A_334 : i32 to vector<1x256xi32>
    %mul3A_336 = arith.muli %broadcast_in_dim3A_86, %mul3A_335 : vector<1x256xi32>
    %add3A_337 = arith.addi %mul3A_336, %add3A_313 : vector<1x256xi32>
    %mul3A_338 = arith.constant 4096 : i32
    %mul3A_339 = vector.broadcast %mul3A_338 : i32 to vector<1x256xi32>
    %mul3A_340 = arith.muli %broadcast_in_dim3A_102, %mul3A_339 : vector<1x256xi32>
    %add3A_341 = arith.addi %mul3A_340, %add3A_313 : vector<1x256xi32>
    %mul3A_342 = arith.constant 4096 : i32
    %mul3A_343 = vector.broadcast %mul3A_342 : i32 to vector<1x256xi32>
    %mul3A_344 = arith.muli %broadcast_in_dim3A_118, %mul3A_343 : vector<1x256xi32>
    %add3A_345 = arith.addi %mul3A_344, %add3A_313 : vector<1x256xi32>
    %mul3A_346 = arith.constant 4096 : i32
    %mul3A_347 = vector.broadcast %mul3A_346 : i32 to vector<1x256xi32>
    %mul3A_348 = arith.muli %broadcast_in_dim3A_134, %mul3A_347 : vector<1x256xi32>
    %add3A_349 = arith.addi %mul3A_348, %add3A_313 : vector<1x256xi32>
    %mul3A_350 = arith.constant 4096 : i32
    %mul3A_351 = vector.broadcast %mul3A_350 : i32 to vector<1x256xi32>
    %mul3A_352 = arith.muli %broadcast_in_dim3A_150, %mul3A_351 : vector<1x256xi32>
    %add3A_353 = arith.addi %mul3A_352, %add3A_313 : vector<1x256xi32>
    %mul3A_354 = arith.constant 4096 : i32
    %mul3A_355 = vector.broadcast %mul3A_354 : i32 to vector<1x256xi32>
    %mul3A_356 = arith.muli %broadcast_in_dim3A_166, %mul3A_355 : vector<1x256xi32>
    %add3A_357 = arith.addi %mul3A_356, %add3A_313 : vector<1x256xi32>
    %mul3A_358 = arith.constant 4096 : i32
    %mul3A_359 = vector.broadcast %mul3A_358 : i32 to vector<1x256xi32>
    %mul3A_360 = arith.muli %broadcast_in_dim3A_182, %mul3A_359 : vector<1x256xi32>
    %add3A_361 = arith.addi %mul3A_360, %add3A_313 : vector<1x256xi32>
    %mul3A_362 = arith.constant 4096 : i32
    %mul3A_363 = vector.broadcast %mul3A_362 : i32 to vector<1x256xi32>
    %mul3A_364 = arith.muli %broadcast_in_dim3A_198, %mul3A_363 : vector<1x256xi32>
    %add3A_365 = arith.addi %mul3A_364, %add3A_313 : vector<1x256xi32>
    %mul3A_366 = arith.constant 4096 : i32
    %mul3A_367 = vector.broadcast %mul3A_366 : i32 to vector<1x256xi32>
    %mul3A_368 = arith.muli %broadcast_in_dim3A_214, %mul3A_367 : vector<1x256xi32>
    %add3A_369 = arith.addi %mul3A_368, %add3A_313 : vector<1x256xi32>
    %mul3A_370 = arith.constant 4096 : i32
    %mul3A_371 = vector.broadcast %mul3A_370 : i32 to vector<1x256xi32>
    %mul3A_372 = arith.muli %broadcast_in_dim3A_230, %mul3A_371 : vector<1x256xi32>
    %add3A_373 = arith.addi %mul3A_372, %add3A_313 : vector<1x256xi32>
    %mul3A_374 = arith.constant 4096 : i32
    %mul3A_375 = vector.broadcast %mul3A_374 : i32 to vector<1x256xi32>
    %mul3A_376 = arith.muli %broadcast_in_dim3A_246, %mul3A_375 : vector<1x256xi32>
    %add3A_377 = arith.addi %mul3A_376, %add3A_313 : vector<1x256xi32>
    %mul3A_378 = arith.constant 4096 : i32
    %mul3A_379 = vector.broadcast %mul3A_378 : i32 to vector<1x256xi32>
    %mul3A_380 = arith.muli %broadcast_in_dim3A_262, %mul3A_379 : vector<1x256xi32>
    %add3A_381 = arith.addi %mul3A_380, %add3A_313 : vector<1x256xi32>
    %mul3A_382 = arith.constant 4096 : i32
    %mul3A_383 = vector.broadcast %mul3A_382 : i32 to vector<1x256xi32>
    %mul3A_384 = arith.muli %broadcast_in_dim3A_278, %mul3A_383 : vector<1x256xi32>
    %add3A_385 = arith.addi %mul3A_384, %add3A_313 : vector<1x256xi32>
    %mul3A_386 = arith.constant 4096 : i32
    %mul3A_387 = vector.broadcast %mul3A_386 : i32 to vector<1x256xi32>
    %mul3A_388 = arith.muli %broadcast_in_dim3A_294, %mul3A_387 : vector<1x256xi32>
    %add3A_389 = arith.addi %mul3A_388, %add3A_313 : vector<1x256xi32>
    %mul3A_390 = arith.constant 4096 : i32
    %mul3A_391 = vector.broadcast %mul3A_390 : i32 to vector<1x256xi32>
    %mul3A_392 = arith.muli %broadcast_in_dim3A_310, %mul3A_391 : vector<1x256xi32>
    %add3A_393 = arith.addi %mul3A_392, %add3A_313 : vector<1x256xi32>
    %broadcast_in_dim3A_394 = arith.constant 0 : i32
    %broadcast_in_dim3A_395 = vector.broadcast %broadcast_in_dim3A_394 : i32 to vector<12x256xi32>
    %concatenate3A = tpu.concatenate %add3A_317, %add3A_321, %add3A_325, %add3A_329, %add3A_333, %add3A_337, %add3A_341, %add3A_345, %add3A_349, %add3A_353, %add3A_357, %add3A_361, %add3A_365, %add3A_369, %add3A_373, %add3A_377, %add3A_381, %add3A_385, %add3A_389, %add3A_393, %broadcast_in_dim3A_395 in 0 : vector<1x256xi32>, vector<1x256xi32>, vector<1x256xi32>, vector<1x256xi32>, vector<1x256xi32>, vector<1x256xi32>, vector<1x256xi32>, vector<1x256xi32>, vector<1x256xi32>, vector<1x256xi32>, vector<1x256xi32>, vector<1x256xi32>, vector<1x256xi32>, vector<1x256xi32>, vector<1x256xi32>, vector<1x256xi32>, vector<1x256xi32>, vector<1x256xi32>, vector<1x256xi32>, vector<1x256xi32>, vector<12x256xi32> -> vector<32x256xi32>
    %swap3A = arith.constant 0 : index
    %swap3A_396 = arith.constant 0 : index
    %swap3A_397 = vector.load %arg2[%swap3A, %swap3A_396] : memref<32x256xi32, #tpu.memory_space<vmem>>, vector<32x256xi32>
    tpu.vector_store %arg2[%swap3A, %swap3A_396], %concatenate3A {strides = array<i32>} : memref<32x256xi32, #tpu.memory_space<vmem>>, vector<32x256xi32>,
    return
  }
  func.func @transform_0(%arg0: i32) -> (i32, i32) {
    %c0_i32 = arith.constant 0 : i32
    %c0_i32_0 = arith.constant 0 : i32
    return %c0_i32, %arg0 : i32, i32
  }
  func.func @transform_1(%arg0: i32) -> (i32, i32) {
    %c0_i32 = arith.constant 0 : i32
    %c0_i32_0 = arith.constant 0 : i32
    return %c0_i32, %arg0 : i32, i32
  }
}

module attributes {stable_mosaic.version = 14 : i64} {
  func.func @body(%arg0: i32, %arg1: memref<256x2560xf32, #tpu.memory_space<vmem>>, %arg2: memref<256x32xi32, #tpu.memory_space<vmem>>, %arg3: memref<256x20xf32, #tpu.memory_space<vmem>>, %arg4: memref<256x32xi32, #tpu.memory_space<vmem>>) attributes {dimension_semantics = [#tpu.dimension_semantics<arbitrary>], iteration_bounds = array<i64: 16>, scalar_prefetch = 0 : i64, scratch_operands = 0 : i64, tpu.core_type = #tpu.core_type<tc>, window_params = [{transform_indices = @transform_0, window_bounds = array<i64: 256, 2560>}, {transform_indices = @transform_1, window_bounds = array<i64: 256, 32>}, {transform_indices = @transform_2, window_bounds = array<i64: 256, 20>}, {transform_indices = @transform_3, window_bounds = array<i64: 256, 32>}]} {
    %get3A = arith.constant 0 : index
    %get3A_0 = arith.constant 0 : index
    %get3A_1 = vector.load %arg1[%get3A, %get3A_0] : memref<256x2560xf32, #tpu.memory_space<vmem>>, vector<256x2560xf32>
    %iota3A = tpu.iota {dimensions = array<i32: 1>} : vector<256x128xi32>
    %get3A_2 = arith.constant 0 : index
    %get3A_3 = arith.constant 0 : index
    %get3A_4 = vector.load %arg2[%get3A_2, %get3A_3] : memref<256x32xi32, #tpu.memory_space<vmem>>, vector<256x1xi32>
    %mul3A = arith.constant 128 : i32
    %mul3A_5 = vector.broadcast %mul3A : i32 to vector<256x1xi32>
    %mul3A_6 = arith.muli %get3A_4, %mul3A_5 : vector<256x1xi32>
    %add3A = vector.broadcast %mul3A_6 : vector<256x1xi32> to vector<256x128xi32>
    %add3A_7 = arith.addi %add3A, %iota3A : vector<256x128xi32>
    %get3A_8 = arith.constant 0 : index
    %get3A_9 = arith.constant 1 : index
    %get3A_10 = vector.load %arg2[%get3A_8, %get3A_9] : memref<256x32xi32, #tpu.memory_space<vmem>>, vector<256x1xi32>
    %mul3A_11 = arith.constant 128 : i32
    %mul3A_12 = vector.broadcast %mul3A_11 : i32 to vector<256x1xi32>
    %mul3A_13 = arith.muli %get3A_10, %mul3A_12 : vector<256x1xi32>
    %add3A_14 = vector.broadcast %mul3A_13 : vector<256x1xi32> to vector<256x128xi32>
    %add3A_15 = arith.addi %add3A_14, %iota3A : vector<256x128xi32>
    %get3A_16 = arith.constant 0 : index
    %get3A_17 = arith.constant 2 : index
    %get3A_18 = vector.load %arg2[%get3A_16, %get3A_17] : memref<256x32xi32, #tpu.memory_space<vmem>>, vector<256x1xi32>
    %mul3A_19 = arith.constant 128 : i32
    %mul3A_20 = vector.broadcast %mul3A_19 : i32 to vector<256x1xi32>
    %mul3A_21 = arith.muli %get3A_18, %mul3A_20 : vector<256x1xi32>
    %add3A_22 = vector.broadcast %mul3A_21 : vector<256x1xi32> to vector<256x128xi32>
    %add3A_23 = arith.addi %add3A_22, %iota3A : vector<256x128xi32>
    %get3A_24 = arith.constant 0 : index
    %get3A_25 = arith.constant 3 : index
    %get3A_26 = vector.load %arg2[%get3A_24, %get3A_25] : memref<256x32xi32, #tpu.memory_space<vmem>>, vector<256x1xi32>
    %mul3A_27 = arith.constant 128 : i32
    %mul3A_28 = vector.broadcast %mul3A_27 : i32 to vector<256x1xi32>
    %mul3A_29 = arith.muli %get3A_26, %mul3A_28 : vector<256x1xi32>
    %add3A_30 = vector.broadcast %mul3A_29 : vector<256x1xi32> to vector<256x128xi32>
    %add3A_31 = arith.addi %add3A_30, %iota3A : vector<256x128xi32>
    %get3A_32 = arith.constant 0 : index
    %get3A_33 = arith.constant 4 : index
    %get3A_34 = vector.load %arg2[%get3A_32, %get3A_33] : memref<256x32xi32, #tpu.memory_space<vmem>>, vector<256x1xi32>
    %mul3A_35 = arith.constant 128 : i32
    %mul3A_36 = vector.broadcast %mul3A_35 : i32 to vector<256x1xi32>
    %mul3A_37 = arith.muli %get3A_34, %mul3A_36 : vector<256x1xi32>
    %add3A_38 = vector.broadcast %mul3A_37 : vector<256x1xi32> to vector<256x128xi32>
    %add3A_39 = arith.addi %add3A_38, %iota3A : vector<256x128xi32>
    %get3A_40 = arith.constant 0 : index
    %get3A_41 = arith.constant 5 : index
    %get3A_42 = vector.load %arg2[%get3A_40, %get3A_41] : memref<256x32xi32, #tpu.memory_space<vmem>>, vector<256x1xi32>
    %mul3A_43 = arith.constant 128 : i32
    %mul3A_44 = vector.broadcast %mul3A_43 : i32 to vector<256x1xi32>
    %mul3A_45 = arith.muli %get3A_42, %mul3A_44 : vector<256x1xi32>
    %add3A_46 = vector.broadcast %mul3A_45 : vector<256x1xi32> to vector<256x128xi32>
    %add3A_47 = arith.addi %add3A_46, %iota3A : vector<256x128xi32>
    %get3A_48 = arith.constant 0 : index
    %get3A_49 = arith.constant 6 : index
    %get3A_50 = vector.load %arg2[%get3A_48, %get3A_49] : memref<256x32xi32, #tpu.memory_space<vmem>>, vector<256x1xi32>
    %mul3A_51 = arith.constant 128 : i32
    %mul3A_52 = vector.broadcast %mul3A_51 : i32 to vector<256x1xi32>
    %mul3A_53 = arith.muli %get3A_50, %mul3A_52 : vector<256x1xi32>
    %add3A_54 = vector.broadcast %mul3A_53 : vector<256x1xi32> to vector<256x128xi32>
    %add3A_55 = arith.addi %add3A_54, %iota3A : vector<256x128xi32>
    %get3A_56 = arith.constant 0 : index
    %get3A_57 = arith.constant 7 : index
    %get3A_58 = vector.load %arg2[%get3A_56, %get3A_57] : memref<256x32xi32, #tpu.memory_space<vmem>>, vector<256x1xi32>
    %mul3A_59 = arith.constant 128 : i32
    %mul3A_60 = vector.broadcast %mul3A_59 : i32 to vector<256x1xi32>
    %mul3A_61 = arith.muli %get3A_58, %mul3A_60 : vector<256x1xi32>
    %add3A_62 = vector.broadcast %mul3A_61 : vector<256x1xi32> to vector<256x128xi32>
    %add3A_63 = arith.addi %add3A_62, %iota3A : vector<256x128xi32>
    %get3A_64 = arith.constant 0 : index
    %get3A_65 = arith.constant 8 : index
    %get3A_66 = vector.load %arg2[%get3A_64, %get3A_65] : memref<256x32xi32, #tpu.memory_space<vmem>>, vector<256x1xi32>
    %mul3A_67 = arith.constant 128 : i32
    %mul3A_68 = vector.broadcast %mul3A_67 : i32 to vector<256x1xi32>
    %mul3A_69 = arith.muli %get3A_66, %mul3A_68 : vector<256x1xi32>
    %add3A_70 = vector.broadcast %mul3A_69 : vector<256x1xi32> to vector<256x128xi32>
    %add3A_71 = arith.addi %add3A_70, %iota3A : vector<256x128xi32>
    %get3A_72 = arith.constant 0 : index
    %get3A_73 = arith.constant 9 : index
    %get3A_74 = vector.load %arg2[%get3A_72, %get3A_73] : memref<256x32xi32, #tpu.memory_space<vmem>>, vector<256x1xi32>
    %mul3A_75 = arith.constant 128 : i32
    %mul3A_76 = vector.broadcast %mul3A_75 : i32 to vector<256x1xi32>
    %mul3A_77 = arith.muli %get3A_74, %mul3A_76 : vector<256x1xi32>
    %add3A_78 = vector.broadcast %mul3A_77 : vector<256x1xi32> to vector<256x128xi32>
    %add3A_79 = arith.addi %add3A_78, %iota3A : vector<256x128xi32>
    %get3A_80 = arith.constant 0 : index
    %get3A_81 = arith.constant 10 : index
    %get3A_82 = vector.load %arg2[%get3A_80, %get3A_81] : memref<256x32xi32, #tpu.memory_space<vmem>>, vector<256x1xi32>
    %mul3A_83 = arith.constant 128 : i32
    %mul3A_84 = vector.broadcast %mul3A_83 : i32 to vector<256x1xi32>
    %mul3A_85 = arith.muli %get3A_82, %mul3A_84 : vector<256x1xi32>
    %add3A_86 = vector.broadcast %mul3A_85 : vector<256x1xi32> to vector<256x128xi32>
    %add3A_87 = arith.addi %add3A_86, %iota3A : vector<256x128xi32>
    %get3A_88 = arith.constant 0 : index
    %get3A_89 = arith.constant 11 : index
    %get3A_90 = vector.load %arg2[%get3A_88, %get3A_89] : memref<256x32xi32, #tpu.memory_space<vmem>>, vector<256x1xi32>
    %mul3A_91 = arith.constant 128 : i32
    %mul3A_92 = vector.broadcast %mul3A_91 : i32 to vector<256x1xi32>
    %mul3A_93 = arith.muli %get3A_90, %mul3A_92 : vector<256x1xi32>
    %add3A_94 = vector.broadcast %mul3A_93 : vector<256x1xi32> to vector<256x128xi32>
    %add3A_95 = arith.addi %add3A_94, %iota3A : vector<256x128xi32>
    %get3A_96 = arith.constant 0 : index
    %get3A_97 = arith.constant 12 : index
    %get3A_98 = vector.load %arg2[%get3A_96, %get3A_97] : memref<256x32xi32, #tpu.memory_space<vmem>>, vector<256x1xi32>
    %mul3A_99 = arith.constant 128 : i32
    %mul3A_100 = vector.broadcast %mul3A_99 : i32 to vector<256x1xi32>
    %mul3A_101 = arith.muli %get3A_98, %mul3A_100 : vector<256x1xi32>
    %add3A_102 = vector.broadcast %mul3A_101 : vector<256x1xi32> to vector<256x128xi32>
    %add3A_103 = arith.addi %add3A_102, %iota3A : vector<256x128xi32>
    %get3A_104 = arith.constant 0 : index
    %get3A_105 = arith.constant 13 : index
    %get3A_106 = vector.load %arg2[%get3A_104, %get3A_105] : memref<256x32xi32, #tpu.memory_space<vmem>>, vector<256x1xi32>
    %mul3A_107 = arith.constant 128 : i32
    %mul3A_108 = vector.broadcast %mul3A_107 : i32 to vector<256x1xi32>
    %mul3A_109 = arith.muli %get3A_106, %mul3A_108 : vector<256x1xi32>
    %add3A_110 = vector.broadcast %mul3A_109 : vector<256x1xi32> to vector<256x128xi32>
    %add3A_111 = arith.addi %add3A_110, %iota3A : vector<256x128xi32>
    %get3A_112 = arith.constant 0 : index
    %get3A_113 = arith.constant 14 : index
    %get3A_114 = vector.load %arg2[%get3A_112, %get3A_113] : memref<256x32xi32, #tpu.memory_space<vmem>>, vector<256x1xi32>
    %mul3A_115 = arith.constant 128 : i32
    %mul3A_116 = vector.broadcast %mul3A_115 : i32 to vector<256x1xi32>
    %mul3A_117 = arith.muli %get3A_114, %mul3A_116 : vector<256x1xi32>
    %add3A_118 = vector.broadcast %mul3A_117 : vector<256x1xi32> to vector<256x128xi32>
    %add3A_119 = arith.addi %add3A_118, %iota3A : vector<256x128xi32>
    %get3A_120 = arith.constant 0 : index
    %get3A_121 = arith.constant 15 : index
    %get3A_122 = vector.load %arg2[%get3A_120, %get3A_121] : memref<256x32xi32, #tpu.memory_space<vmem>>, vector<256x1xi32>
    %mul3A_123 = arith.constant 128 : i32
    %mul3A_124 = vector.broadcast %mul3A_123 : i32 to vector<256x1xi32>
    %mul3A_125 = arith.muli %get3A_122, %mul3A_124 : vector<256x1xi32>
    %add3A_126 = vector.broadcast %mul3A_125 : vector<256x1xi32> to vector<256x128xi32>
    %add3A_127 = arith.addi %add3A_126, %iota3A : vector<256x128xi32>
    %get3A_128 = arith.constant 0 : index
    %get3A_129 = arith.constant 16 : index
    %get3A_130 = vector.load %arg2[%get3A_128, %get3A_129] : memref<256x32xi32, #tpu.memory_space<vmem>>, vector<256x1xi32>
    %mul3A_131 = arith.constant 128 : i32
    %mul3A_132 = vector.broadcast %mul3A_131 : i32 to vector<256x1xi32>
    %mul3A_133 = arith.muli %get3A_130, %mul3A_132 : vector<256x1xi32>
    %add3A_134 = vector.broadcast %mul3A_133 : vector<256x1xi32> to vector<256x128xi32>
    %add3A_135 = arith.addi %add3A_134, %iota3A : vector<256x128xi32>
    %get3A_136 = arith.constant 0 : index
    %get3A_137 = arith.constant 17 : index
    %get3A_138 = vector.load %arg2[%get3A_136, %get3A_137] : memref<256x32xi32, #tpu.memory_space<vmem>>, vector<256x1xi32>
    %mul3A_139 = arith.constant 128 : i32
    %mul3A_140 = vector.broadcast %mul3A_139 : i32 to vector<256x1xi32>
    %mul3A_141 = arith.muli %get3A_138, %mul3A_140 : vector<256x1xi32>
    %add3A_142 = vector.broadcast %mul3A_141 : vector<256x1xi32> to vector<256x128xi32>
    %add3A_143 = arith.addi %add3A_142, %iota3A : vector<256x128xi32>
    %get3A_144 = arith.constant 0 : index
    %get3A_145 = arith.constant 18 : index
    %get3A_146 = vector.load %arg2[%get3A_144, %get3A_145] : memref<256x32xi32, #tpu.memory_space<vmem>>, vector<256x1xi32>
    %mul3A_147 = arith.constant 128 : i32
    %mul3A_148 = vector.broadcast %mul3A_147 : i32 to vector<256x1xi32>
    %mul3A_149 = arith.muli %get3A_146, %mul3A_148 : vector<256x1xi32>
    %add3A_150 = vector.broadcast %mul3A_149 : vector<256x1xi32> to vector<256x128xi32>
    %add3A_151 = arith.addi %add3A_150, %iota3A : vector<256x128xi32>
    %get3A_152 = arith.constant 0 : index
    %get3A_153 = arith.constant 19 : index
    %get3A_154 = vector.load %arg2[%get3A_152, %get3A_153] : memref<256x32xi32, #tpu.memory_space<vmem>>, vector<256x1xi32>
    %mul3A_155 = arith.constant 128 : i32
    %mul3A_156 = vector.broadcast %mul3A_155 : i32 to vector<256x1xi32>
    %mul3A_157 = arith.muli %get3A_154, %mul3A_156 : vector<256x1xi32>
    %add3A_158 = vector.broadcast %mul3A_157 : vector<256x1xi32> to vector<256x128xi32>
    %add3A_159 = arith.addi %add3A_158, %iota3A : vector<256x128xi32>
    %concatenate3A = tpu.concatenate %add3A_7, %add3A_15, %add3A_23, %add3A_31, %add3A_39, %add3A_47, %add3A_55, %add3A_63, %add3A_71, %add3A_79, %add3A_87, %add3A_95, %add3A_103, %add3A_111, %add3A_119, %add3A_127, %add3A_135, %add3A_143, %add3A_151, %add3A_159 in 1 : vector<256x128xi32>, vector<256x128xi32>, vector<256x128xi32>, vector<256x128xi32>, vector<256x128xi32>, vector<256x128xi32>, vector<256x128xi32>, vector<256x128xi32>, vector<256x128xi32>, vector<256x128xi32>, vector<256x128xi32>, vector<256x128xi32>, vector<256x128xi32>, vector<256x128xi32>, vector<256x128xi32>, vector<256x128xi32>, vector<256x128xi32>, vector<256x128xi32>, vector<256x128xi32>, vector<256x128xi32> -> vector<256x2560xi32>
    %reduce_max3A = arith.constant dense<0xFF800000> : vector<256xf32>
    %reduce_max3A_160 = vector.multi_reduction <maximumf>, %get3A_1, %reduce_max3A [1] : vector<256x2560xf32> to vector<256xf32>
    %broadcast_in_dim3A = vector.shape_cast %reduce_max3A_160 : vector<256xf32> to vector<256x1xf32>
    %eq3A = vector.broadcast %broadcast_in_dim3A : vector<256x1xf32> to vector<256x2560xf32>
    %eq3A_161 = arith.cmpf oeq, %get3A_1, %eq3A : vector<256x2560xf32>
    %jit3A = arith.constant 1073741824 : i32
    %broadcast_in_dim3A_162 = vector.broadcast %jit3A : i32 to vector<256x2560xi32>
    %select_n3A = arith.select %eq3A_161, %concatenate3A, %broadcast_in_dim3A_162 : vector<256x2560xi1>, vector<256x2560xi32>
    %reduce_min3A = arith.constant dense<2147483647> : vector<256xi32>
    %reduce_min3A_163 = vector.multi_reduction <minsi>, %select_n3A, %reduce_min3A [1] : vector<256x2560xi32> to vector<256xi32>
    %broadcast_in_dim3A_164 = vector.shape_cast %reduce_min3A_163 : vector<256xi32> to vector<256x1xi32>
    %eq3A_165 = vector.broadcast %broadcast_in_dim3A_164 : vector<256x1xi32> to vector<256x2560xi32>
    %eq3A_166 = arith.cmpi eq, %concatenate3A, %eq3A_165 : vector<256x2560xi32>
    %jit3A_167 = arith.constant -1.000000e+30 : f32
    %broadcast_in_dim3A_168 = vector.broadcast %jit3A_167 : f32 to vector<256x2560xf32>
    %select_n3A_169 = arith.select %eq3A_166, %broadcast_in_dim3A_168, %get3A_1 : vector<256x2560xi1>, vector<256x2560xf32>
    %reduce_max3A_170 = arith.constant dense<0xFF800000> : vector<256xf32>
    %reduce_max3A_171 = vector.multi_reduction <maximumf>, %select_n3A_169, %reduce_max3A_170 [1] : vector<256x2560xf32> to vector<256xf32>
    %broadcast_in_dim3A_172 = vector.shape_cast %reduce_max3A_171 : vector<256xf32> to vector<256x1xf32>
    %eq3A_173 = vector.broadcast %broadcast_in_dim3A_172 : vector<256x1xf32> to vector<256x2560xf32>
    %eq3A_174 = arith.cmpf oeq, %select_n3A_169, %eq3A_173 : vector<256x2560xf32>
    %jit3A_175 = arith.constant 1073741824 : i32
    %broadcast_in_dim3A_176 = vector.broadcast %jit3A_175 : i32 to vector<256x2560xi32>
    %select_n3A_177 = arith.select %eq3A_174, %concatenate3A, %broadcast_in_dim3A_176 : vector<256x2560xi1>, vector<256x2560xi32>
    %reduce_min3A_178 = arith.constant dense<2147483647> : vector<256xi32>
    %reduce_min3A_179 = vector.multi_reduction <minsi>, %select_n3A_177, %reduce_min3A_178 [1] : vector<256x2560xi32> to vector<256xi32>
    %broadcast_in_dim3A_180 = vector.shape_cast %reduce_min3A_179 : vector<256xi32> to vector<256x1xi32>
    %eq3A_181 = vector.broadcast %broadcast_in_dim3A_180 : vector<256x1xi32> to vector<256x2560xi32>
    %eq3A_182 = arith.cmpi eq, %concatenate3A, %eq3A_181 : vector<256x2560xi32>
    %jit3A_183 = arith.constant -1.000000e+30 : f32
    %broadcast_in_dim3A_184 = vector.broadcast %jit3A_183 : f32 to vector<256x2560xf32>
    %select_n3A_185 = arith.select %eq3A_182, %broadcast_in_dim3A_184, %select_n3A_169 : vector<256x2560xi1>, vector<256x2560xf32>
    %reduce_max3A_186 = arith.constant dense<0xFF800000> : vector<256xf32>
    %reduce_max3A_187 = vector.multi_reduction <maximumf>, %select_n3A_185, %reduce_max3A_186 [1] : vector<256x2560xf32> to vector<256xf32>
    %broadcast_in_dim3A_188 = vector.shape_cast %reduce_max3A_187 : vector<256xf32> to vector<256x1xf32>
    %eq3A_189 = vector.broadcast %broadcast_in_dim3A_188 : vector<256x1xf32> to vector<256x2560xf32>
    %eq3A_190 = arith.cmpf oeq, %select_n3A_185, %eq3A_189 : vector<256x2560xf32>
    %jit3A_191 = arith.constant 1073741824 : i32
    %broadcast_in_dim3A_192 = vector.broadcast %jit3A_191 : i32 to vector<256x2560xi32>
    %select_n3A_193 = arith.select %eq3A_190, %concatenate3A, %broadcast_in_dim3A_192 : vector<256x2560xi1>, vector<256x2560xi32>
    %reduce_min3A_194 = arith.constant dense<2147483647> : vector<256xi32>
    %reduce_min3A_195 = vector.multi_reduction <minsi>, %select_n3A_193, %reduce_min3A_194 [1] : vector<256x2560xi32> to vector<256xi32>
    %broadcast_in_dim3A_196 = vector.shape_cast %reduce_min3A_195 : vector<256xi32> to vector<256x1xi32>
    %eq3A_197 = vector.broadcast %broadcast_in_dim3A_196 : vector<256x1xi32> to vector<256x2560xi32>
    %eq3A_198 = arith.cmpi eq, %concatenate3A, %eq3A_197 : vector<256x2560xi32>
    %jit3A_199 = arith.constant -1.000000e+30 : f32
    %broadcast_in_dim3A_200 = vector.broadcast %jit3A_199 : f32 to vector<256x2560xf32>
    %select_n3A_201 = arith.select %eq3A_198, %broadcast_in_dim3A_200, %select_n3A_185 : vector<256x2560xi1>, vector<256x2560xf32>
    %reduce_max3A_202 = arith.constant dense<0xFF800000> : vector<256xf32>
    %reduce_max3A_203 = vector.multi_reduction <maximumf>, %select_n3A_201, %reduce_max3A_202 [1] : vector<256x2560xf32> to vector<256xf32>
    %broadcast_in_dim3A_204 = vector.shape_cast %reduce_max3A_203 : vector<256xf32> to vector<256x1xf32>
    %eq3A_205 = vector.broadcast %broadcast_in_dim3A_204 : vector<256x1xf32> to vector<256x2560xf32>
    %eq3A_206 = arith.cmpf oeq, %select_n3A_201, %eq3A_205 : vector<256x2560xf32>
    %jit3A_207 = arith.constant 1073741824 : i32
    %broadcast_in_dim3A_208 = vector.broadcast %jit3A_207 : i32 to vector<256x2560xi32>
    %select_n3A_209 = arith.select %eq3A_206, %concatenate3A, %broadcast_in_dim3A_208 : vector<256x2560xi1>, vector<256x2560xi32>
    %reduce_min3A_210 = arith.constant dense<2147483647> : vector<256xi32>
    %reduce_min3A_211 = vector.multi_reduction <minsi>, %select_n3A_209, %reduce_min3A_210 [1] : vector<256x2560xi32> to vector<256xi32>
    %broadcast_in_dim3A_212 = vector.shape_cast %reduce_min3A_211 : vector<256xi32> to vector<256x1xi32>
    %eq3A_213 = vector.broadcast %broadcast_in_dim3A_212 : vector<256x1xi32> to vector<256x2560xi32>
    %eq3A_214 = arith.cmpi eq, %concatenate3A, %eq3A_213 : vector<256x2560xi32>
    %jit3A_215 = arith.constant -1.000000e+30 : f32
    %broadcast_in_dim3A_216 = vector.broadcast %jit3A_215 : f32 to vector<256x2560xf32>
    %select_n3A_217 = arith.select %eq3A_214, %broadcast_in_dim3A_216, %select_n3A_201 : vector<256x2560xi1>, vector<256x2560xf32>
    %reduce_max3A_218 = arith.constant dense<0xFF800000> : vector<256xf32>
    %reduce_max3A_219 = vector.multi_reduction <maximumf>, %select_n3A_217, %reduce_max3A_218 [1] : vector<256x2560xf32> to vector<256xf32>
    %broadcast_in_dim3A_220 = vector.shape_cast %reduce_max3A_219 : vector<256xf32> to vector<256x1xf32>
    %eq3A_221 = vector.broadcast %broadcast_in_dim3A_220 : vector<256x1xf32> to vector<256x2560xf32>
    %eq3A_222 = arith.cmpf oeq, %select_n3A_217, %eq3A_221 : vector<256x2560xf32>
    %jit3A_223 = arith.constant 1073741824 : i32
    %broadcast_in_dim3A_224 = vector.broadcast %jit3A_223 : i32 to vector<256x2560xi32>
    %select_n3A_225 = arith.select %eq3A_222, %concatenate3A, %broadcast_in_dim3A_224 : vector<256x2560xi1>, vector<256x2560xi32>
    %reduce_min3A_226 = arith.constant dense<2147483647> : vector<256xi32>
    %reduce_min3A_227 = vector.multi_reduction <minsi>, %select_n3A_225, %reduce_min3A_226 [1] : vector<256x2560xi32> to vector<256xi32>
    %broadcast_in_dim3A_228 = vector.shape_cast %reduce_min3A_227 : vector<256xi32> to vector<256x1xi32>
    %eq3A_229 = vector.broadcast %broadcast_in_dim3A_228 : vector<256x1xi32> to vector<256x2560xi32>
    %eq3A_230 = arith.cmpi eq, %concatenate3A, %eq3A_229 : vector<256x2560xi32>
    %jit3A_231 = arith.constant -1.000000e+30 : f32
    %broadcast_in_dim3A_232 = vector.broadcast %jit3A_231 : f32 to vector<256x2560xf32>
    %select_n3A_233 = arith.select %eq3A_230, %broadcast_in_dim3A_232, %select_n3A_217 : vector<256x2560xi1>, vector<256x2560xf32>
    %reduce_max3A_234 = arith.constant dense<0xFF800000> : vector<256xf32>
    %reduce_max3A_235 = vector.multi_reduction <maximumf>, %select_n3A_233, %reduce_max3A_234 [1] : vector<256x2560xf32> to vector<256xf32>
    %broadcast_in_dim3A_236 = vector.shape_cast %reduce_max3A_235 : vector<256xf32> to vector<256x1xf32>
    %eq3A_237 = vector.broadcast %broadcast_in_dim3A_236 : vector<256x1xf32> to vector<256x2560xf32>
    %eq3A_238 = arith.cmpf oeq, %select_n3A_233, %eq3A_237 : vector<256x2560xf32>
    %jit3A_239 = arith.constant 1073741824 : i32
    %broadcast_in_dim3A_240 = vector.broadcast %jit3A_239 : i32 to vector<256x2560xi32>
    %select_n3A_241 = arith.select %eq3A_238, %concatenate3A, %broadcast_in_dim3A_240 : vector<256x2560xi1>, vector<256x2560xi32>
    %reduce_min3A_242 = arith.constant dense<2147483647> : vector<256xi32>
    %reduce_min3A_243 = vector.multi_reduction <minsi>, %select_n3A_241, %reduce_min3A_242 [1] : vector<256x2560xi32> to vector<256xi32>
    %broadcast_in_dim3A_244 = vector.shape_cast %reduce_min3A_243 : vector<256xi32> to vector<256x1xi32>
    %eq3A_245 = vector.broadcast %broadcast_in_dim3A_244 : vector<256x1xi32> to vector<256x2560xi32>
    %eq3A_246 = arith.cmpi eq, %concatenate3A, %eq3A_245 : vector<256x2560xi32>
    %jit3A_247 = arith.constant -1.000000e+30 : f32
    %broadcast_in_dim3A_248 = vector.broadcast %jit3A_247 : f32 to vector<256x2560xf32>
    %select_n3A_249 = arith.select %eq3A_246, %broadcast_in_dim3A_248, %select_n3A_233 : vector<256x2560xi1>, vector<256x2560xf32>
    %reduce_max3A_250 = arith.constant dense<0xFF800000> : vector<256xf32>
    %reduce_max3A_251 = vector.multi_reduction <maximumf>, %select_n3A_249, %reduce_max3A_250 [1] : vector<256x2560xf32> to vector<256xf32>
    %broadcast_in_dim3A_252 = vector.shape_cast %reduce_max3A_251 : vector<256xf32> to vector<256x1xf32>
    %eq3A_253 = vector.broadcast %broadcast_in_dim3A_252 : vector<256x1xf32> to vector<256x2560xf32>
    %eq3A_254 = arith.cmpf oeq, %select_n3A_249, %eq3A_253 : vector<256x2560xf32>
    %jit3A_255 = arith.constant 1073741824 : i32
    %broadcast_in_dim3A_256 = vector.broadcast %jit3A_255 : i32 to vector<256x2560xi32>
    %select_n3A_257 = arith.select %eq3A_254, %concatenate3A, %broadcast_in_dim3A_256 : vector<256x2560xi1>, vector<256x2560xi32>
    %reduce_min3A_258 = arith.constant dense<2147483647> : vector<256xi32>
    %reduce_min3A_259 = vector.multi_reduction <minsi>, %select_n3A_257, %reduce_min3A_258 [1] : vector<256x2560xi32> to vector<256xi32>
    %broadcast_in_dim3A_260 = vector.shape_cast %reduce_min3A_259 : vector<256xi32> to vector<256x1xi32>
    %eq3A_261 = vector.broadcast %broadcast_in_dim3A_260 : vector<256x1xi32> to vector<256x2560xi32>
    %eq3A_262 = arith.cmpi eq, %concatenate3A, %eq3A_261 : vector<256x2560xi32>
    %jit3A_263 = arith.constant -1.000000e+30 : f32
    %broadcast_in_dim3A_264 = vector.broadcast %jit3A_263 : f32 to vector<256x2560xf32>
    %select_n3A_265 = arith.select %eq3A_262, %broadcast_in_dim3A_264, %select_n3A_249 : vector<256x2560xi1>, vector<256x2560xf32>
    %reduce_max3A_266 = arith.constant dense<0xFF800000> : vector<256xf32>
    %reduce_max3A_267 = vector.multi_reduction <maximumf>, %select_n3A_265, %reduce_max3A_266 [1] : vector<256x2560xf32> to vector<256xf32>
    %broadcast_in_dim3A_268 = vector.shape_cast %reduce_max3A_267 : vector<256xf32> to vector<256x1xf32>
    %eq3A_269 = vector.broadcast %broadcast_in_dim3A_268 : vector<256x1xf32> to vector<256x2560xf32>
    %eq3A_270 = arith.cmpf oeq, %select_n3A_265, %eq3A_269 : vector<256x2560xf32>
    %jit3A_271 = arith.constant 1073741824 : i32
    %broadcast_in_dim3A_272 = vector.broadcast %jit3A_271 : i32 to vector<256x2560xi32>
    %select_n3A_273 = arith.select %eq3A_270, %concatenate3A, %broadcast_in_dim3A_272 : vector<256x2560xi1>, vector<256x2560xi32>
    %reduce_min3A_274 = arith.constant dense<2147483647> : vector<256xi32>
    %reduce_min3A_275 = vector.multi_reduction <minsi>, %select_n3A_273, %reduce_min3A_274 [1] : vector<256x2560xi32> to vector<256xi32>
    %broadcast_in_dim3A_276 = vector.shape_cast %reduce_min3A_275 : vector<256xi32> to vector<256x1xi32>
    %eq3A_277 = vector.broadcast %broadcast_in_dim3A_276 : vector<256x1xi32> to vector<256x2560xi32>
    %eq3A_278 = arith.cmpi eq, %concatenate3A, %eq3A_277 : vector<256x2560xi32>
    %jit3A_279 = arith.constant -1.000000e+30 : f32
    %broadcast_in_dim3A_280 = vector.broadcast %jit3A_279 : f32 to vector<256x2560xf32>
    %select_n3A_281 = arith.select %eq3A_278, %broadcast_in_dim3A_280, %select_n3A_265 : vector<256x2560xi1>, vector<256x2560xf32>
    %reduce_max3A_282 = arith.constant dense<0xFF800000> : vector<256xf32>
    %reduce_max3A_283 = vector.multi_reduction <maximumf>, %select_n3A_281, %reduce_max3A_282 [1] : vector<256x2560xf32> to vector<256xf32>
    %broadcast_in_dim3A_284 = vector.shape_cast %reduce_max3A_283 : vector<256xf32> to vector<256x1xf32>
    %eq3A_285 = vector.broadcast %broadcast_in_dim3A_284 : vector<256x1xf32> to vector<256x2560xf32>
    %eq3A_286 = arith.cmpf oeq, %select_n3A_281, %eq3A_285 : vector<256x2560xf32>
    %jit3A_287 = arith.constant 1073741824 : i32
    %broadcast_in_dim3A_288 = vector.broadcast %jit3A_287 : i32 to vector<256x2560xi32>
    %select_n3A_289 = arith.select %eq3A_286, %concatenate3A, %broadcast_in_dim3A_288 : vector<256x2560xi1>, vector<256x2560xi32>
    %reduce_min3A_290 = arith.constant dense<2147483647> : vector<256xi32>
    %reduce_min3A_291 = vector.multi_reduction <minsi>, %select_n3A_289, %reduce_min3A_290 [1] : vector<256x2560xi32> to vector<256xi32>
    %broadcast_in_dim3A_292 = vector.shape_cast %reduce_min3A_291 : vector<256xi32> to vector<256x1xi32>
    %eq3A_293 = vector.broadcast %broadcast_in_dim3A_292 : vector<256x1xi32> to vector<256x2560xi32>
    %eq3A_294 = arith.cmpi eq, %concatenate3A, %eq3A_293 : vector<256x2560xi32>
    %jit3A_295 = arith.constant -1.000000e+30 : f32
    %broadcast_in_dim3A_296 = vector.broadcast %jit3A_295 : f32 to vector<256x2560xf32>
    %select_n3A_297 = arith.select %eq3A_294, %broadcast_in_dim3A_296, %select_n3A_281 : vector<256x2560xi1>, vector<256x2560xf32>
    %reduce_max3A_298 = arith.constant dense<0xFF800000> : vector<256xf32>
    %reduce_max3A_299 = vector.multi_reduction <maximumf>, %select_n3A_297, %reduce_max3A_298 [1] : vector<256x2560xf32> to vector<256xf32>
    %broadcast_in_dim3A_300 = vector.shape_cast %reduce_max3A_299 : vector<256xf32> to vector<256x1xf32>
    %eq3A_301 = vector.broadcast %broadcast_in_dim3A_300 : vector<256x1xf32> to vector<256x2560xf32>
    %eq3A_302 = arith.cmpf oeq, %select_n3A_297, %eq3A_301 : vector<256x2560xf32>
    %jit3A_303 = arith.constant 1073741824 : i32
    %broadcast_in_dim3A_304 = vector.broadcast %jit3A_303 : i32 to vector<256x2560xi32>
    %select_n3A_305 = arith.select %eq3A_302, %concatenate3A, %broadcast_in_dim3A_304 : vector<256x2560xi1>, vector<256x2560xi32>
    %reduce_min3A_306 = arith.constant dense<2147483647> : vector<256xi32>
    %reduce_min3A_307 = vector.multi_reduction <minsi>, %select_n3A_305, %reduce_min3A_306 [1] : vector<256x2560xi32> to vector<256xi32>
    %broadcast_in_dim3A_308 = vector.shape_cast %reduce_min3A_307 : vector<256xi32> to vector<256x1xi32>
    %eq3A_309 = vector.broadcast %broadcast_in_dim3A_308 : vector<256x1xi32> to vector<256x2560xi32>
    %eq3A_310 = arith.cmpi eq, %concatenate3A, %eq3A_309 : vector<256x2560xi32>
    %jit3A_311 = arith.constant -1.000000e+30 : f32
    %broadcast_in_dim3A_312 = vector.broadcast %jit3A_311 : f32 to vector<256x2560xf32>
    %select_n3A_313 = arith.select %eq3A_310, %broadcast_in_dim3A_312, %select_n3A_297 : vector<256x2560xi1>, vector<256x2560xf32>
    %reduce_max3A_314 = arith.constant dense<0xFF800000> : vector<256xf32>
    %reduce_max3A_315 = vector.multi_reduction <maximumf>, %select_n3A_313, %reduce_max3A_314 [1] : vector<256x2560xf32> to vector<256xf32>
    %broadcast_in_dim3A_316 = vector.shape_cast %reduce_max3A_315 : vector<256xf32> to vector<256x1xf32>
    %eq3A_317 = vector.broadcast %broadcast_in_dim3A_316 : vector<256x1xf32> to vector<256x2560xf32>
    %eq3A_318 = arith.cmpf oeq, %select_n3A_313, %eq3A_317 : vector<256x2560xf32>
    %jit3A_319 = arith.constant 1073741824 : i32
    %broadcast_in_dim3A_320 = vector.broadcast %jit3A_319 : i32 to vector<256x2560xi32>
    %select_n3A_321 = arith.select %eq3A_318, %concatenate3A, %broadcast_in_dim3A_320 : vector<256x2560xi1>, vector<256x2560xi32>
    %reduce_min3A_322 = arith.constant dense<2147483647> : vector<256xi32>
    %reduce_min3A_323 = vector.multi_reduction <minsi>, %select_n3A_321, %reduce_min3A_322 [1] : vector<256x2560xi32> to vector<256xi32>
    %broadcast_in_dim3A_324 = vector.shape_cast %reduce_min3A_323 : vector<256xi32> to vector<256x1xi32>
    %eq3A_325 = vector.broadcast %broadcast_in_dim3A_324 : vector<256x1xi32> to vector<256x2560xi32>
    %eq3A_326 = arith.cmpi eq, %concatenate3A, %eq3A_325 : vector<256x2560xi32>
    %jit3A_327 = arith.constant -1.000000e+30 : f32
    %broadcast_in_dim3A_328 = vector.broadcast %jit3A_327 : f32 to vector<256x2560xf32>
    %select_n3A_329 = arith.select %eq3A_326, %broadcast_in_dim3A_328, %select_n3A_313 : vector<256x2560xi1>, vector<256x2560xf32>
    %reduce_max3A_330 = arith.constant dense<0xFF800000> : vector<256xf32>
    %reduce_max3A_331 = vector.multi_reduction <maximumf>, %select_n3A_329, %reduce_max3A_330 [1] : vector<256x2560xf32> to vector<256xf32>
    %broadcast_in_dim3A_332 = vector.shape_cast %reduce_max3A_331 : vector<256xf32> to vector<256x1xf32>
    %eq3A_333 = vector.broadcast %broadcast_in_dim3A_332 : vector<256x1xf32> to vector<256x2560xf32>
    %eq3A_334 = arith.cmpf oeq, %select_n3A_329, %eq3A_333 : vector<256x2560xf32>
    %jit3A_335 = arith.constant 1073741824 : i32
    %broadcast_in_dim3A_336 = vector.broadcast %jit3A_335 : i32 to vector<256x2560xi32>
    %select_n3A_337 = arith.select %eq3A_334, %concatenate3A, %broadcast_in_dim3A_336 : vector<256x2560xi1>, vector<256x2560xi32>
    %reduce_min3A_338 = arith.constant dense<2147483647> : vector<256xi32>
    %reduce_min3A_339 = vector.multi_reduction <minsi>, %select_n3A_337, %reduce_min3A_338 [1] : vector<256x2560xi32> to vector<256xi32>
    %broadcast_in_dim3A_340 = vector.shape_cast %reduce_min3A_339 : vector<256xi32> to vector<256x1xi32>
    %eq3A_341 = vector.broadcast %broadcast_in_dim3A_340 : vector<256x1xi32> to vector<256x2560xi32>
    %eq3A_342 = arith.cmpi eq, %concatenate3A, %eq3A_341 : vector<256x2560xi32>
    %jit3A_343 = arith.constant -1.000000e+30 : f32
    %broadcast_in_dim3A_344 = vector.broadcast %jit3A_343 : f32 to vector<256x2560xf32>
    %select_n3A_345 = arith.select %eq3A_342, %broadcast_in_dim3A_344, %select_n3A_329 : vector<256x2560xi1>, vector<256x2560xf32>
    %reduce_max3A_346 = arith.constant dense<0xFF800000> : vector<256xf32>
    %reduce_max3A_347 = vector.multi_reduction <maximumf>, %select_n3A_345, %reduce_max3A_346 [1] : vector<256x2560xf32> to vector<256xf32>
    %broadcast_in_dim3A_348 = vector.shape_cast %reduce_max3A_347 : vector<256xf32> to vector<256x1xf32>
    %eq3A_349 = vector.broadcast %broadcast_in_dim3A_348 : vector<256x1xf32> to vector<256x2560xf32>
    %eq3A_350 = arith.cmpf oeq, %select_n3A_345, %eq3A_349 : vector<256x2560xf32>
    %jit3A_351 = arith.constant 1073741824 : i32
    %broadcast_in_dim3A_352 = vector.broadcast %jit3A_351 : i32 to vector<256x2560xi32>
    %select_n3A_353 = arith.select %eq3A_350, %concatenate3A, %broadcast_in_dim3A_352 : vector<256x2560xi1>, vector<256x2560xi32>
    %reduce_min3A_354 = arith.constant dense<2147483647> : vector<256xi32>
    %reduce_min3A_355 = vector.multi_reduction <minsi>, %select_n3A_353, %reduce_min3A_354 [1] : vector<256x2560xi32> to vector<256xi32>
    %broadcast_in_dim3A_356 = vector.shape_cast %reduce_min3A_355 : vector<256xi32> to vector<256x1xi32>
    %eq3A_357 = vector.broadcast %broadcast_in_dim3A_356 : vector<256x1xi32> to vector<256x2560xi32>
    %eq3A_358 = arith.cmpi eq, %concatenate3A, %eq3A_357 : vector<256x2560xi32>
    %jit3A_359 = arith.constant -1.000000e+30 : f32
    %broadcast_in_dim3A_360 = vector.broadcast %jit3A_359 : f32 to vector<256x2560xf32>
    %select_n3A_361 = arith.select %eq3A_358, %broadcast_in_dim3A_360, %select_n3A_345 : vector<256x2560xi1>, vector<256x2560xf32>
    %reduce_max3A_362 = arith.constant dense<0xFF800000> : vector<256xf32>
    %reduce_max3A_363 = vector.multi_reduction <maximumf>, %select_n3A_361, %reduce_max3A_362 [1] : vector<256x2560xf32> to vector<256xf32>
    %broadcast_in_dim3A_364 = vector.shape_cast %reduce_max3A_363 : vector<256xf32> to vector<256x1xf32>
    %eq3A_365 = vector.broadcast %broadcast_in_dim3A_364 : vector<256x1xf32> to vector<256x2560xf32>
    %eq3A_366 = arith.cmpf oeq, %select_n3A_361, %eq3A_365 : vector<256x2560xf32>
    %jit3A_367 = arith.constant 1073741824 : i32
    %broadcast_in_dim3A_368 = vector.broadcast %jit3A_367 : i32 to vector<256x2560xi32>
    %select_n3A_369 = arith.select %eq3A_366, %concatenate3A, %broadcast_in_dim3A_368 : vector<256x2560xi1>, vector<256x2560xi32>
    %reduce_min3A_370 = arith.constant dense<2147483647> : vector<256xi32>
    %reduce_min3A_371 = vector.multi_reduction <minsi>, %select_n3A_369, %reduce_min3A_370 [1] : vector<256x2560xi32> to vector<256xi32>
    %broadcast_in_dim3A_372 = vector.shape_cast %reduce_min3A_371 : vector<256xi32> to vector<256x1xi32>
    %eq3A_373 = vector.broadcast %broadcast_in_dim3A_372 : vector<256x1xi32> to vector<256x2560xi32>
    %eq3A_374 = arith.cmpi eq, %concatenate3A, %eq3A_373 : vector<256x2560xi32>
    %jit3A_375 = arith.constant -1.000000e+30 : f32
    %broadcast_in_dim3A_376 = vector.broadcast %jit3A_375 : f32 to vector<256x2560xf32>
    %select_n3A_377 = arith.select %eq3A_374, %broadcast_in_dim3A_376, %select_n3A_361 : vector<256x2560xi1>, vector<256x2560xf32>
    %reduce_max3A_378 = arith.constant dense<0xFF800000> : vector<256xf32>
    %reduce_max3A_379 = vector.multi_reduction <maximumf>, %select_n3A_377, %reduce_max3A_378 [1] : vector<256x2560xf32> to vector<256xf32>
    %broadcast_in_dim3A_380 = vector.shape_cast %reduce_max3A_379 : vector<256xf32> to vector<256x1xf32>
    %eq3A_381 = vector.broadcast %broadcast_in_dim3A_380 : vector<256x1xf32> to vector<256x2560xf32>
    %eq3A_382 = arith.cmpf oeq, %select_n3A_377, %eq3A_381 : vector<256x2560xf32>
    %jit3A_383 = arith.constant 1073741824 : i32
    %broadcast_in_dim3A_384 = vector.broadcast %jit3A_383 : i32 to vector<256x2560xi32>
    %select_n3A_385 = arith.select %eq3A_382, %concatenate3A, %broadcast_in_dim3A_384 : vector<256x2560xi1>, vector<256x2560xi32>
    %reduce_min3A_386 = arith.constant dense<2147483647> : vector<256xi32>
    %reduce_min3A_387 = vector.multi_reduction <minsi>, %select_n3A_385, %reduce_min3A_386 [1] : vector<256x2560xi32> to vector<256xi32>
    %broadcast_in_dim3A_388 = vector.shape_cast %reduce_min3A_387 : vector<256xi32> to vector<256x1xi32>
    %eq3A_389 = vector.broadcast %broadcast_in_dim3A_388 : vector<256x1xi32> to vector<256x2560xi32>
    %eq3A_390 = arith.cmpi eq, %concatenate3A, %eq3A_389 : vector<256x2560xi32>
    %jit3A_391 = arith.constant -1.000000e+30 : f32
    %broadcast_in_dim3A_392 = vector.broadcast %jit3A_391 : f32 to vector<256x2560xf32>
    %select_n3A_393 = arith.select %eq3A_390, %broadcast_in_dim3A_392, %select_n3A_377 : vector<256x2560xi1>, vector<256x2560xf32>
    %reduce_max3A_394 = arith.constant dense<0xFF800000> : vector<256xf32>
    %reduce_max3A_395 = vector.multi_reduction <maximumf>, %select_n3A_393, %reduce_max3A_394 [1] : vector<256x2560xf32> to vector<256xf32>
    %broadcast_in_dim3A_396 = vector.shape_cast %reduce_max3A_395 : vector<256xf32> to vector<256x1xf32>
    %eq3A_397 = vector.broadcast %broadcast_in_dim3A_396 : vector<256x1xf32> to vector<256x2560xf32>
    %eq3A_398 = arith.cmpf oeq, %select_n3A_393, %eq3A_397 : vector<256x2560xf32>
    %jit3A_399 = arith.constant 1073741824 : i32
    %broadcast_in_dim3A_400 = vector.broadcast %jit3A_399 : i32 to vector<256x2560xi32>
    %select_n3A_401 = arith.select %eq3A_398, %concatenate3A, %broadcast_in_dim3A_400 : vector<256x2560xi1>, vector<256x2560xi32>
    %reduce_min3A_402 = arith.constant dense<2147483647> : vector<256xi32>
    %reduce_min3A_403 = vector.multi_reduction <minsi>, %select_n3A_401, %reduce_min3A_402 [1] : vector<256x2560xi32> to vector<256xi32>
    %broadcast_in_dim3A_404 = vector.shape_cast %reduce_min3A_403 : vector<256xi32> to vector<256x1xi32>
    %eq3A_405 = vector.broadcast %broadcast_in_dim3A_404 : vector<256x1xi32> to vector<256x2560xi32>
    %eq3A_406 = arith.cmpi eq, %concatenate3A, %eq3A_405 : vector<256x2560xi32>
    %jit3A_407 = arith.constant -1.000000e+30 : f32
    %broadcast_in_dim3A_408 = vector.broadcast %jit3A_407 : f32 to vector<256x2560xf32>
    %select_n3A_409 = arith.select %eq3A_406, %broadcast_in_dim3A_408, %select_n3A_393 : vector<256x2560xi1>, vector<256x2560xf32>
    %reduce_max3A_410 = arith.constant dense<0xFF800000> : vector<256xf32>
    %reduce_max3A_411 = vector.multi_reduction <maximumf>, %select_n3A_409, %reduce_max3A_410 [1] : vector<256x2560xf32> to vector<256xf32>
    %broadcast_in_dim3A_412 = vector.shape_cast %reduce_max3A_411 : vector<256xf32> to vector<256x1xf32>
    %eq3A_413 = vector.broadcast %broadcast_in_dim3A_412 : vector<256x1xf32> to vector<256x2560xf32>
    %eq3A_414 = arith.cmpf oeq, %select_n3A_409, %eq3A_413 : vector<256x2560xf32>
    %jit3A_415 = arith.constant 1073741824 : i32
    %broadcast_in_dim3A_416 = vector.broadcast %jit3A_415 : i32 to vector<256x2560xi32>
    %select_n3A_417 = arith.select %eq3A_414, %concatenate3A, %broadcast_in_dim3A_416 : vector<256x2560xi1>, vector<256x2560xi32>
    %reduce_min3A_418 = arith.constant dense<2147483647> : vector<256xi32>
    %reduce_min3A_419 = vector.multi_reduction <minsi>, %select_n3A_417, %reduce_min3A_418 [1] : vector<256x2560xi32> to vector<256xi32>
    %broadcast_in_dim3A_420 = vector.shape_cast %reduce_min3A_419 : vector<256xi32> to vector<256x1xi32>
    %eq3A_421 = vector.broadcast %broadcast_in_dim3A_420 : vector<256x1xi32> to vector<256x2560xi32>
    %eq3A_422 = arith.cmpi eq, %concatenate3A, %eq3A_421 : vector<256x2560xi32>
    %jit3A_423 = arith.constant -1.000000e+30 : f32
    %broadcast_in_dim3A_424 = vector.broadcast %jit3A_423 : f32 to vector<256x2560xf32>
    %select_n3A_425 = arith.select %eq3A_422, %broadcast_in_dim3A_424, %select_n3A_409 : vector<256x2560xi1>, vector<256x2560xf32>
    %reduce_max3A_426 = arith.constant dense<0xFF800000> : vector<256xf32>
    %reduce_max3A_427 = vector.multi_reduction <maximumf>, %select_n3A_425, %reduce_max3A_426 [1] : vector<256x2560xf32> to vector<256xf32>
    %broadcast_in_dim3A_428 = vector.shape_cast %reduce_max3A_427 : vector<256xf32> to vector<256x1xf32>
    %eq3A_429 = vector.broadcast %broadcast_in_dim3A_428 : vector<256x1xf32> to vector<256x2560xf32>
    %eq3A_430 = arith.cmpf oeq, %select_n3A_425, %eq3A_429 : vector<256x2560xf32>
    %jit3A_431 = arith.constant 1073741824 : i32
    %broadcast_in_dim3A_432 = vector.broadcast %jit3A_431 : i32 to vector<256x2560xi32>
    %select_n3A_433 = arith.select %eq3A_430, %concatenate3A, %broadcast_in_dim3A_432 : vector<256x2560xi1>, vector<256x2560xi32>
    %reduce_min3A_434 = arith.constant dense<2147483647> : vector<256xi32>
    %reduce_min3A_435 = vector.multi_reduction <minsi>, %select_n3A_433, %reduce_min3A_434 [1] : vector<256x2560xi32> to vector<256xi32>
    %broadcast_in_dim3A_436 = vector.shape_cast %reduce_min3A_435 : vector<256xi32> to vector<256x1xi32>
    %eq3A_437 = vector.broadcast %broadcast_in_dim3A_436 : vector<256x1xi32> to vector<256x2560xi32>
    %eq3A_438 = arith.cmpi eq, %concatenate3A, %eq3A_437 : vector<256x2560xi32>
    %jit3A_439 = arith.constant -1.000000e+30 : f32
    %broadcast_in_dim3A_440 = vector.broadcast %jit3A_439 : f32 to vector<256x2560xf32>
    %select_n3A_441 = arith.select %eq3A_438, %broadcast_in_dim3A_440, %select_n3A_425 : vector<256x2560xi1>, vector<256x2560xf32>
    %reduce_max3A_442 = arith.constant dense<0xFF800000> : vector<256xf32>
    %reduce_max3A_443 = vector.multi_reduction <maximumf>, %select_n3A_441, %reduce_max3A_442 [1] : vector<256x2560xf32> to vector<256xf32>
    %broadcast_in_dim3A_444 = vector.shape_cast %reduce_max3A_443 : vector<256xf32> to vector<256x1xf32>
    %eq3A_445 = vector.broadcast %broadcast_in_dim3A_444 : vector<256x1xf32> to vector<256x2560xf32>
    %eq3A_446 = arith.cmpf oeq, %select_n3A_441, %eq3A_445 : vector<256x2560xf32>
    %jit3A_447 = arith.constant 1073741824 : i32
    %broadcast_in_dim3A_448 = vector.broadcast %jit3A_447 : i32 to vector<256x2560xi32>
    %select_n3A_449 = arith.select %eq3A_446, %concatenate3A, %broadcast_in_dim3A_448 : vector<256x2560xi1>, vector<256x2560xi32>
    %reduce_min3A_450 = arith.constant dense<2147483647> : vector<256xi32>
    %reduce_min3A_451 = vector.multi_reduction <minsi>, %select_n3A_449, %reduce_min3A_450 [1] : vector<256x2560xi32> to vector<256xi32>
    %broadcast_in_dim3A_452 = vector.shape_cast %reduce_min3A_451 : vector<256xi32> to vector<256x1xi32>
    %eq3A_453 = vector.broadcast %broadcast_in_dim3A_452 : vector<256x1xi32> to vector<256x2560xi32>
    %eq3A_454 = arith.cmpi eq, %concatenate3A, %eq3A_453 : vector<256x2560xi32>
    %jit3A_455 = arith.constant -1.000000e+30 : f32
    %broadcast_in_dim3A_456 = vector.broadcast %jit3A_455 : f32 to vector<256x2560xf32>
    %select_n3A_457 = arith.select %eq3A_454, %broadcast_in_dim3A_456, %select_n3A_441 : vector<256x2560xi1>, vector<256x2560xf32>
    %reduce_max3A_458 = arith.constant dense<0xFF800000> : vector<256xf32>
    %reduce_max3A_459 = vector.multi_reduction <maximumf>, %select_n3A_457, %reduce_max3A_458 [1] : vector<256x2560xf32> to vector<256xf32>
    %broadcast_in_dim3A_460 = vector.shape_cast %reduce_max3A_459 : vector<256xf32> to vector<256x1xf32>
    %eq3A_461 = vector.broadcast %broadcast_in_dim3A_460 : vector<256x1xf32> to vector<256x2560xf32>
    %eq3A_462 = arith.cmpf oeq, %select_n3A_457, %eq3A_461 : vector<256x2560xf32>
    %jit3A_463 = arith.constant 1073741824 : i32
    %broadcast_in_dim3A_464 = vector.broadcast %jit3A_463 : i32 to vector<256x2560xi32>
    %select_n3A_465 = arith.select %eq3A_462, %concatenate3A, %broadcast_in_dim3A_464 : vector<256x2560xi1>, vector<256x2560xi32>
    %reduce_min3A_466 = arith.constant dense<2147483647> : vector<256xi32>
    %reduce_min3A_467 = vector.multi_reduction <minsi>, %select_n3A_465, %reduce_min3A_466 [1] : vector<256x2560xi32> to vector<256xi32>
    %broadcast_in_dim3A_468 = vector.shape_cast %reduce_min3A_467 : vector<256xi32> to vector<256x1xi32>
    %concatenate3A_469 = tpu.concatenate %broadcast_in_dim3A, %broadcast_in_dim3A_172, %broadcast_in_dim3A_188, %broadcast_in_dim3A_204, %broadcast_in_dim3A_220, %broadcast_in_dim3A_236, %broadcast_in_dim3A_252, %broadcast_in_dim3A_268, %broadcast_in_dim3A_284, %broadcast_in_dim3A_300, %broadcast_in_dim3A_316, %broadcast_in_dim3A_332, %broadcast_in_dim3A_348, %broadcast_in_dim3A_364, %broadcast_in_dim3A_380, %broadcast_in_dim3A_396, %broadcast_in_dim3A_412, %broadcast_in_dim3A_428, %broadcast_in_dim3A_444, %broadcast_in_dim3A_460 in 1 : vector<256x1xf32>, vector<256x1xf32>, vector<256x1xf32>, vector<256x1xf32>, vector<256x1xf32>, vector<256x1xf32>, vector<256x1xf32>, vector<256x1xf32>, vector<256x1xf32>, vector<256x1xf32>, vector<256x1xf32>, vector<256x1xf32>, vector<256x1xf32>, vector<256x1xf32>, vector<256x1xf32>, vector<256x1xf32>, vector<256x1xf32>, vector<256x1xf32>, vector<256x1xf32>, vector<256x1xf32> -> vector<256x20xf32>
    %reduce_max3A_470 = arith.constant dense<0xFF800000> : vector<256xf32>
    %reduce_max3A_471 = vector.multi_reduction <maximumf>, %concatenate3A_469, %reduce_max3A_470 [1] : vector<256x20xf32> to vector<256xf32>
    %broadcast_in_dim3A_472 = vector.shape_cast %reduce_max3A_471 : vector<256xf32> to vector<256x1xf32>
    %sub3A = vector.broadcast %broadcast_in_dim3A_472 : vector<256x1xf32> to vector<256x20xf32>
    %sub3A_473 = arith.subf %concatenate3A_469, %sub3A : vector<256x20xf32>
    %exp3A = math.exp %sub3A_473 : vector<256x20xf32>
    %reduce_sum3A = arith.constant dense<0.000000e+00> : vector<256xf32>
    %reduce_sum3A_474 = vector.multi_reduction <add>, %exp3A, %reduce_sum3A [1] : vector<256x20xf32> to vector<256xf32>
    %broadcast_in_dim3A_475 = vector.shape_cast %reduce_sum3A_474 : vector<256xf32> to vector<256x1xf32>
    %div3A = vector.broadcast %broadcast_in_dim3A_475 : vector<256x1xf32> to vector<256x20xf32>
    %div3A_476 = arith.divf %exp3A, %div3A : vector<256x20xf32>
    %swap3A = arith.constant 0 : index
    %swap3A_477 = arith.constant 0 : index
    %swap3A_478 = vector.load %arg3[%swap3A, %swap3A_477] : memref<256x20xf32, #tpu.memory_space<vmem>>, vector<256x20xf32>
    tpu.vector_store %arg3[%swap3A, %swap3A_477], %div3A_476 {strides = array<i32>} : memref<256x20xf32, #tpu.memory_space<vmem>>, vector<256x20xf32>,
    %broadcast_in_dim3A_479 = arith.constant 0 : i32
    %broadcast_in_dim3A_480 = vector.broadcast %broadcast_in_dim3A_479 : i32 to vector<256x12xi32>
    %concatenate3A_481 = tpu.concatenate %broadcast_in_dim3A_164, %broadcast_in_dim3A_180, %broadcast_in_dim3A_196, %broadcast_in_dim3A_212, %broadcast_in_dim3A_228, %broadcast_in_dim3A_244, %broadcast_in_dim3A_260, %broadcast_in_dim3A_276, %broadcast_in_dim3A_292, %broadcast_in_dim3A_308, %broadcast_in_dim3A_324, %broadcast_in_dim3A_340, %broadcast_in_dim3A_356, %broadcast_in_dim3A_372, %broadcast_in_dim3A_388, %broadcast_in_dim3A_404, %broadcast_in_dim3A_420, %broadcast_in_dim3A_436, %broadcast_in_dim3A_452, %broadcast_in_dim3A_468, %broadcast_in_dim3A_480 in 1 : vector<256x1xi32>, vector<256x1xi32>, vector<256x1xi32>, vector<256x1xi32>, vector<256x1xi32>, vector<256x1xi32>, vector<256x1xi32>, vector<256x1xi32>, vector<256x1xi32>, vector<256x1xi32>, vector<256x1xi32>, vector<256x1xi32>, vector<256x1xi32>, vector<256x1xi32>, vector<256x1xi32>, vector<256x1xi32>, vector<256x1xi32>, vector<256x1xi32>, vector<256x1xi32>, vector<256x1xi32>, vector<256x12xi32> -> vector<256x32xi32>
    %swap3A_482 = arith.constant 0 : index
    %swap3A_483 = arith.constant 0 : index
    %swap3A_484 = vector.load %arg4[%swap3A_482, %swap3A_483] : memref<256x32xi32, #tpu.memory_space<vmem>>, vector<256x32xi32>
    tpu.vector_store %arg4[%swap3A_482, %swap3A_483], %concatenate3A_481 {strides = array<i32>} : memref<256x32xi32, #tpu.memory_space<vmem>>, vector<256x32xi32>,
    return
  }
  func.func @transform_0(%arg0: i32) -> (i32, i32) {
    %c0_i32 = arith.constant 0 : i32
    %c0_i32_0 = arith.constant 0 : i32
    return %arg0, %c0_i32 : i32, i32
  }
  func.func @transform_1(%arg0: i32) -> (i32, i32) {
    %c0_i32 = arith.constant 0 : i32
    %c0_i32_0 = arith.constant 0 : i32
    return %arg0, %c0_i32 : i32, i32
  }
  func.func @transform_2(%arg0: i32) -> (i32, i32) {
    %c0_i32 = arith.constant 0 : i32
    %c0_i32_0 = arith.constant 0 : i32
    return %arg0, %c0_i32 : i32, i32
  }
  func.func @transform_3(%arg0: i32) -> (i32, i32) {
    %c0_i32 = arith.constant 0 : i32
    %c0_i32_0 = arith.constant 0 : i32
    return %arg0, %c0_i32 : i32, i32
  }
}

</mosaic_0001>

<sc_bundles>
// kernel: kernel.10.cloned.1.call-start
scs
__scs_entry_jumppad:
0x0: {  	(pc) =	sbr.rel $0x88, $3  }
0x1: {  	(tag) =	ssettag $0x0;
	lr =	simm.s32 $0x1  }
0x2: {  	[smem:$0x3F9E] =	sst lr;
	_ =	strace $0xD0000000  }
0x3: {  	_ = 	snop  }
0x4: {  	_ = 	snop  }
0x5: {  	_ = 	snop  }
0x6: {  	_ = 	snop  }
0x7: {  	_ = 	snop  }
__scs_overlays_trampoline_lowered:
0x8: {  	[smem:$0x3FAD] =	sst s0  }
0x9: {  	[smem:$0x3FAE] =	sst s1  }
0xa: {  	[smem:$0x3FAF] =	sst s2  }
0xb: {  	[smem:$0x3FB0] =	sst s3  }
0xc: {  	[smem:$0x3FB1] =	sst s4  }
0xd: {  	[smem:$0x3FB2] =	sst s5  }
0xe: {  	[smem:$0x3FB3] =	sst s6  }
0xf: {  	[smem:$0x3FB4] =	sst s7  }
0x10: {  	[smem:$0x3FB5] =	sst s8  }
0x11: {  	[smem:$0x3FB6] =	sst s9;
	s0 =	simm.s32 @!p0 $0x0  }
0x12: {  	s1 =	sld [smem:$0x3F9C];
	s0 =	simm.s32 @p0 $0x1  }
0x13: {  	[smem:$0x3FB7] =	sst s0;
	s0 =	simm.s32 @!p1 $0x0  }
0x14: {  	s2 =	sld [smem:$0x3F9B];
	s0 =	simm.s32 @p1 $0x1  }
0x15: {  	[smem:$0x3FB8] =	sst s0;
	s0 =	simm.s32 @!p2 $0x0  }
0x16: {  	s3 =	sld [smem:$0x3FDB];
	s0 =	simm.s32 @p2 $0x1  }
0x17: {  	s4 =	simm.s32 $0x1BF5;
	[smem:$0x3FBA] =	sst s0  }
0x18: {  	s0 =	sld [smem:$0x3F9D];
	_ =	swait.ge [sflag:s4], $0x0  }
0x19: {  	s7 =	sld [smem:$0x3F9E]  }
0x1a: {  	s8 =	sadd.s32 $0xFFFFE003, lr  }
0x1b: {  	s9 =	sadd.s32 $0xFFFFFEF7, lr;
	s5 =	simm.s32 $0xFFFFFFFF;
	p2 =	slt.u32 s8, $0xFFFFF086  }
0x1c: {  	p1 =	slt.u32 s9, $0xF7A;
	s5 =	simm.s32 @!p2 $0x0  }
0x1d: {  	s5 =	simm.s32 @p1 $0x1;
	p0 =	seq.s32 s7, s2  }
0x1e: {  	s7 =	smul.u32 @!p0 $0xF7A, s2;
	p2 =	seq.s32 @!p0 s5, $0x0  }
0x1f: {  	s9 =	smul.u32 $0xF7A, s1;
	s8 =	simm.s32 @!p0 $0x1BF5;
	p2 =	por !p2, p0  }
0x20: {  	[sflag:s8] =	ssyncset.s32 @!p0 $0xFFFFF086;
	s6 =	sadd.s32 @!p0 s3, s7;
	s7 =	simm.s32 @!p0 $0x108  }
0x21: {  	s3 =	sadd.s32 s3, s9;
	s6 =	sadd.s32 @!p0 $0x88, s6;
	s7 =	simm.s32 @p2 $0x1082  }
0x22: {  	[simem:s7], [sflag:s8] =	dma.local @!p0 [hbm:s6], $0xF7A  }
0x23: {  	s9 =	sor.u32 $0xD0000000, s2;
	s6 =	simm.s32 $0x108;
	_ =	swait.ge @!p0 [sflag:s8], $0x0  }
0x24: {  	s3 =	sadd.s32 $0x88, s3;
	s6 =	simm.s32 @!p1 $0x1082;
	[sflag:s4] =	ssyncset.s32 $0xFFFFF086  }
0x25: {  	[simem:s6], [sflag:s4] =	dma.local [hbm:s3], $0xF7A  }
0x26: {  	[smem:$0x3F9E] =	sst s1;
	(tag) =	ssettag s2;
	_ =	strace s9  }
0x27: {  	s1 =	sld [smem:$0x3FAE]  }
0x28: {  	s2 =	sld [smem:$0x3FAF]  }
0x29: {  	s4 =	sld [smem:$0x3FB1]  }
0x2a: {  	p0 =	seq.s32 s5, $0x0;
	s5 =	sld [smem:$0x3FB2]  }
0x2b: {  	s6 =	sld [smem:$0x3FB3]  }
0x2c: {  	s7 =	sld [smem:$0x3FB4]  }
0x2d: {  	s3 =	simm.s32 $0x108;
	s8 =	sld [smem:$0x3FB5]  }
0x2e: {  	s3 =	simm.s32 @!p0 $0x1082;
	s9 =	sld [smem:$0x3FB6]  }
0x2f: {  	lr =	sadd.s32 s0, s3;
	s0 =	sld [smem:$0x3FAD]  }
0x30: {  	s3 =	sld [smem:$0x3FB0]  }
0x31: {  	[smem:$0x3FB9] =	sst s10  }
0x32: {  	s10 =	sld [smem:$0x3FB7];
	_ =	sdelay $0x3  }
0x33: {  	p0 =	seq.s32 s10, $0x1;
	s10 =	sld [smem:$0x3FB9];
	_ =	sdelay $0x3  }
0x34: {  	[smem:$0x3FB9] =	sst s10  }
0x35: {  	s10 =	sld [smem:$0x3FB8];
	_ =	sdelay $0x3  }
0x36: {  	p1 =	seq.s32 s10, $0x1;
	s10 =	sld [smem:$0x3FB9];
	_ =	sdelay $0x3  }
0x37: {  	[smem:$0x3FB9] =	sst s10  }
0x38: {  	s10 =	sld [smem:$0x3FBA]  }
0x39: {  	_ = 	snop;
	(pc) =	sbr.ind lr, $3  }
0x3a: {  	_ = 	snop  }
0x3b: {  	_ = 	snop  }
0x3c: {  	p2 =	seq.s32 s10, $0x1;
	s10 =	sld [smem:$0x3FB9]  }
0x3d: {  	_ =	shalt  }
0x3e: {  	_ =	shalt  }
0x3f: {  	_ =	shalt  }
0x40: {  	_ =	shalt  }
0x41: {  	_ =	shalt  }
0x42: {  	_ =	shalt  }
0x43: {  	_ =	shalt  }
0x44: {  	_ =	shalt  }
0x45: {  	_ =	shalt  }
0x46: {  	_ =	shalt  }
0x47: {  	_ =	shalt  }
0x48: {  	_ =	shalt  }
0x49: {  	_ =	shalt  }
0x4a: {  	_ =	shalt  }
0x4b: {  	_ =	shalt  }
0x4c: {  	_ =	shalt  }
0x4d: {  	_ =	shalt  }
0x4e: {  	_ =	shalt  }
0x4f: {  	_ =	shalt  }
0x50: {  	_ =	shalt  }
0x51: {  	_ =	shalt  }
0x52: {  	_ =	shalt  }
0x53: {  	_ =	shalt  }
0x54: {  	_ =	shalt  }
0x55: {  	_ =	shalt  }
0x56: {  	_ =	shalt  }
0x57: {  	_ =	shalt  }
0x58: {  	_ =	shalt  }
0x59: {  	_ =	shalt  }
0x5a: {  	_ =	shalt  }
0x5b: {  	_ =	shalt  }
0x5c: {  	_ =	shalt  }
0x5d: {  	_ =	shalt  }
0x5e: {  	_ =	shalt  }
0x5f: {  	_ =	shalt  }
0x60: {  	_ =	shalt  }
0x61: {  	_ =	shalt  }
0x62: {  	_ =	shalt  }
0x63: {  	_ =	shalt  }
0x64: {  	_ =	shalt  }
0x65: {  	_ =	shalt  }
0x66: {  	_ =	shalt  }
0x67: {  	_ =	shalt  }
0x68: {  	_ =	shalt  }
0x69: {  	_ =	shalt  }
0x6a: {  	_ =	shalt  }
0x6b: {  	_ =	shalt  }
0x6c: {  	_ =	shalt  }
0x6d: {  	_ =	shalt  }
0x6e: {  	_ =	shalt  }
0x6f: {  	_ =	shalt  }
0x70: {  	_ =	shalt  }
0x71: {  	_ =	shalt  }
0x72: {  	_ =	shalt  }
0x73: {  	_ =	shalt  }
0x74: {  	_ =	shalt  }
0x75: {  	_ =	shalt  }
0x76: {  	_ =	shalt  }
0x77: {  	_ =	shalt  }
0x78: {  	_ =	shalt  }
0x79: {  	_ =	shalt  }
0x7a: {  	_ =	shalt  }
0x7b: {  	_ =	shalt  }
0x7c: {  	_ =	shalt  }
0x7d: {  	_ =	shalt  }
0x7e: {  	_ =	shalt  }
0x7f: {  	_ =	shalt  }
0x80: {  	_ =	shalt  }
0x81: {  	_ =	shalt  }
0x82: {  	_ =	shalt  }
0x83: {  	_ =	shalt  }
0x84: {  	_ =	shalt  }
0x85: {  	_ =	shalt  }
0x86: {  	_ =	shalt  }
0x87: {  	_ =	shalt  }
.Lfunc_end0:
.L_simem_size_0:
called_computation.1_lowered:
.L_overlay_start_0:
0x88: {  	s2 =	sld [smem:$0x3FD9]  }
0x89: {  	s3 =	sld [smem:$0x3FFE];
	_ =	sdelay $0x1  }
0x8a: {  	s1 =	srdreg.scid  }
0x8b: {  	s0 =	sand.u32 $0x1, s1  }
0x8c: {  	s14 =	sshll.u32 s0, $0xA;
	s2 =	sadd.s32 s3, s2  }
0x8d: {  	s2 =	sadd.s32 s2, s14  }
0x8e: {  	[smem:$0x3FC5] =	sst s2  }
0x8f: {  	_ = 	snop  }
0x90: {  	s2 =	sld [smem:$0x3FD0];
	_ =	sdelay $0x2  }
0x91: {  	s15 =	simm.s32 $0xA;
	s4 =	simm.s32 $0x10  }
0x92: {  	[smem:s4], [sflag:s15] =	dma.local [hbm:s2], $0x1  }
0x93: {  	_ =	swait.eq [sflag:s15], $0x1  }
0x94: {  	[sflag:s15] =	ssyncset.done $0x0  }
0x95: {  	[sflag:s15] =	ssyncadd.s32 $0xFFFFFFFF  }
0x96: {  	s16 =	sld [smem:$0x11];
	(tm) =	ssettm $0x1  }
0x97: {  	s17 =	sld [smem:$0x3FFB];
	_ =	sdelay $0x3  }
0x98: {  	_ =	strace s17  }
0x99: {  	s3 =	sld [smem:$0x3FFC];
	_ =	sdelay $0x3  }
0x9a: {  	_ =	strace s3  }
0x9b: {  	s3 =	sld [smem:$0x3FFD];
	_ =	sdelay $0x3  }
0x9c: {  	_ =	strace s3  }
0x9d: {  	_ =	strace $0x8FFFFFFF  }
0x9e: {  	s18 =	sld [smem:$0x3FDB];
	_ =	sdelay $0x1  }
0x9f: {  	s19 =	simm.s32 $_scs_section_size  }
0xa0: {  	s5 =	simm.s32 $_size__tile_overlayer_lowered;
	s6 =	simm.s32 $_tile_overlayer_lowered  }
0xa1: {  	s22 =	simm.s32 $0x1BFF;
	s21 =	sshll.u32 s6, $0x1;
	s3 =	sadd.s32 s19, s18  }
0xa2: {  	s7 =	simm.s32 $0x0;
	s20 =	sshll.u32 s5, $0x1;
	s5 =	sadd.s32 s21, s3  }
0xa3: {  	[timem:s7], [sflag:s22] =	dma.local [hbm:s5], s20  }
0xa4: {  	_ =	swait.ge [sflag:s22], s20  }
0xa5: {  	s4 =	ssub.s32 $0x0, s20;
	[sflag:s22] =	ssyncset.done $0x0  }
0xa6: {  	[sflag:s22] =	ssyncadd.s32 s4;
	_ =	sdelay $0x1  }
0xa7: {  	s23 =	simm.s32 $0x1B8B  }
0xa8: {  	_ =	swait.ge [sflag:s23], $0x1  }
0xa9: {  	[sflag:s23] =	ssyncset.done $0x0  }
0xaa: {  	s25 =	simm.s32 $0x1B8E;
	s24 =	sld [smem:$0x3FFE];
	[sflag:s23] =	ssyncadd.s32 $0xFFFFFFFF  }
0xab: {  	s26 =	simm.s32 $execute0_lowered;
	[smem:$0x3FD2] =	sst s25  }
0xac: {  	s5 =	sshll.u32 s26, $0x1;
	_ =	strace $0x80000049;
	[dreg:$0x1] =	wrdreg $0xFFFFFFFF  }
0xad: {  	s28 =	simm.s32 $_size_execute0_lowered;
	s3 =	sadd.s32 s3, s5;
	[dreg:$0x0] =	wrdreg $0x0  }
0xae: {  	s5 =	sshll.u32 s28, $0x1;
	[dreg:$0x2] =	wrdreg s3  }
0xaf: {  	[dreg:$0x3] =	wrdreg s5  }
0xb0: {  	[dreg:$0x4] =	wrdreg $0xC0  }
0xb1: {  	_ =	task [dreg:s7], $0x5FFFF  }
0xb2: {  	[dreg:$0x1] =	wrdreg $0xFFFFFFFF  }
0xb3: {  	[dreg:$0x0] =	wrdreg $0x60  }
0xb4: {  	[dreg:$0x2] =	wrdreg s24  }
0xb5: {  	[dreg:$0x3] =	wrdreg s16  }
0xb6: {  	[dreg:$0x4] =	wrdreg $0x9  }
0xb7: {  	_ =	task.clear_ibuf [dreg:s7], $0x5FFFF;
	_ =	strace $0x90000049  }
0xb8: {  	s29 =	simm.s32 $0x9;
	_ =	strace $0x8000004B  }
0xb9: {  	_ =	swait.ge [sflag:s29], $0x1  }
0xba: {  	[sflag:s29] =	ssyncadd.s32 $0xFFFFFFFF  }
0xbb: {  	_ =	strace $0x9000004B  }
0xbc: {  	_ =	sfence  }
0xbd: {  	s30 =	sld [smem:$0x0];
	_ =	sdelay $0x2  }
0xbe: {  	s31 =	sshll.u32 s1, $0xD;
	s1 =	sshrl.u32 s1, $0x2  }
0xbf: {  	s3 =	sand.u32 $0x4000, s31;
	s1 =	sadd.s32 s1, s30  }
0xc0: {  	s0 =	sor.u32 s3, s0;
	s1 =	sshll.u32 s1, $0x11  }
0xc1: {  	s0 =	sor.u32 s1, s0  }
0xc2: {  	s0 =	sadd.s32 $0x8F2B, s0  }
0xc3: {  	[sflag:s0] =	ssyncadd.remote.s32 $0x1  }
0xc4: {  	_ =	sfence.sel $0xFFFF  }
0xc5: {  	[dreg:$0x0] =	wrdreg $0xFFFFFFFF;
	(pc) =	sbr.abs _section_cstart, $3  }
0xc6: {  	[dreg:$0x1] =	wrdreg $0xFFFFFFFF  }
0xc7: {  	_ =	task.clear_ibuf [dreg:s7], $0x2FFFF;
	_ =	strace $0x9FFFFFFF  }
0xc8: {  	(tm) =	ssettm $0x7FFFFFFF  }
0xc9: {  	_ =	shalt  }
tec
execute0_lowered:
.L_overlay_start_1:
0x0: {  	(tag) =	ssettag $0x1  }
0x1: {  	s1 =	srdreg.scid;
	s0 =	stileid.u32  }
0x2: {  	s15 =	sand.u32 $0x1, s1;
	s30 =	sshll.u32 s0, $0x1  }
0x3: {  	s14 =	rddreg [dreg:$0x0];
	s8 =	sor.u32 s15, s30  }
0x4: {  	s13 =	rddreg [dreg:$0x1];
	s16 =	smul.u32 $0xA00, s8  }
0x5: {  	s2 =	simm.s32 $0x0;
	s1 =	rddreg [dreg:$0x2]  }
0x6: {  	[smem:$0x7FF] =	sst s2;
	s3 =	sshrl.u32 s16, $0x3  }
0x7: {  	_ =	strace $0x8000004A;
	s4 =	sadd.s32 s13, s3;
	s3 =	simm.s32 $0x2  }
0x8: {  	[tilespmem:s2], [sflag:$0x2] =	stream.linear.gather [hbm4b:s4+s2], $0x280, $0x38;
	[tilespmem:$0x14280] =	vst v63  }
0x9: {  	_ =	swait.ge [sflag:s3], $0x280  }
0xa: {  	s6 =	simm.s32 $0x280;
	[sflag:s3] =	ssyncset.done $0x0  }
0xb: {  	s7 =	simm.s32 $0x1;
	s5 =	sadd.s32 $0x2C6A00, s14;
	[sflag:s3] =	ssyncadd.s32 $0xFFFFFD80  }
0xc: {  	[tilespmem:s6], [sflag:$0x1] =	stream.indirect.gather [hbm4b:s5+s6], $0x80, s2, s6, $0xb8;
	[tilespmem:$0x14280] =	vst v63  }
0xd: {  	s8 =	smul.u32 $0xA000, s8;
	_ =	swait.ge [sflag:s7], $0x14000  }
0xe: {  	[sflag:s7] =	ssyncset.done $0x0  }
0xf: {  	s8 =	sadd.s32 s14, s8;
	[sflag:s7] =	ssyncadd.s32 $0xFFFEC000  }
0x10: {  	[hbm4b:s8+s2] =	stream.linear.scatter [tilespmem:s6], [sflag:$0x2], $0x14000, $0x38;
	[tilespmem:$0x14280] =	vst v63  }
0x11: {  	s10 =	sadd.s32 $0x280, s16;
	_ =	swait.ge [sflag:s3], $0x14000  }
0x12: {  	s9 =	sshrl.u32 s10, $0x3;
	[sflag:s3] =	ssyncset.done $0x0  }
0x13: {  	s9 =	sadd.s32 s13, s9;
	[sflag:s3] =	ssyncadd.s32 $0xFFFEC000  }
0x14: {  	[tilespmem:s2], [sflag:$0x2] =	stream.linear.gather [hbm4b:s9+s2], $0x280, $0x38;
	[tilespmem:$0x14280] =	vst v63  }
0x15: {  	_ =	swait.ge [sflag:s3], $0x280  }
0x16: {  	[sflag:s3] =	ssyncset.done $0x0  }
0x17: {  	[sflag:s3] =	ssyncadd.s32 $0xFFFFFD80  }
0x18: {  	[tilespmem:s6], [sflag:$0x1] =	stream.indirect.gather [hbm4b:s5+s6], $0x80, s2, s6, $0xb8;
	[tilespmem:$0x14280] =	vst v63  }
0x19: {  	_ =	swait.ge [sflag:s7], $0x14000  }
0x1a: {  	s10 =	sshll.u32 s10, $0x4;
	[sflag:s7] =	ssyncset.done $0x0  }
0x1b: {  	s10 =	sadd.s32 s14, s10;
	[sflag:s7] =	ssyncadd.s32 $0xFFFEC000  }
0x1c: {  	[hbm4b:s10+s2] =	stream.linear.scatter [tilespmem:s6], [sflag:$0x2], $0x14000, $0x38;
	[tilespmem:$0x14280] =	vst v63  }
0x1d: {  	s12 =	sadd.s32 $0x500, s16;
	_ =	swait.ge [sflag:s3], $0x14000  }
0x1e: {  	s11 =	sshrl.u32 s12, $0x3;
	[sflag:s3] =	ssyncset.done $0x0  }
0x1f: {  	s11 =	sadd.s32 s13, s11;
	[sflag:s3] =	ssyncadd.s32 $0xFFFEC000  }
0x20: {  	[tilespmem:s2], [sflag:$0x2] =	stream.linear.gather [hbm4b:s11+s2], $0x280, $0x38;
	[tilespmem:$0x14280] =	vst v63  }
0x21: {  	_ =	swait.ge [sflag:s3], $0x280  }
0x22: {  	[sflag:s3] =	ssyncset.done $0x0  }
0x23: {  	[sflag:s3] =	ssyncadd.s32 $0xFFFFFD80  }
0x24: {  	[tilespmem:s6], [sflag:$0x1] =	stream.indirect.gather [hbm4b:s5+s6], $0x80, s2, s6, $0xb8;
	[tilespmem:$0x14280] =	vst v63  }
0x25: {  	_ =	swait.ge [sflag:s7], $0x14000  }
0x26: {  	s12 =	sshll.u32 s12, $0x4;
	[sflag:s7] =	ssyncset.done $0x0  }
0x27: {  	s12 =	sadd.s32 s14, s12;
	[sflag:s7] =	ssyncadd.s32 $0xFFFEC000  }
0x28: {  	[hbm4b:s12+s2] =	stream.linear.scatter [tilespmem:s6], [sflag:$0x2], $0x14000, $0x38;
	[tilespmem:$0x14280] =	vst v63  }
0x29: {  	s16 =	sadd.s32 $0x780, s16;
	_ =	swait.ge [sflag:s3], $0x14000  }
0x2a: {  	s17 =	sshrl.u32 s16, $0x3;
	[sflag:s3] =	ssyncset.done $0x0  }
0x2b: {  	s15 =	ssub.s32 $0x2, s15;
	s13 =	sadd.s32 s13, s17;
	[sflag:s3] =	ssyncadd.s32 $0xFFFEC000  }
0x2c: {  	[tilespmem:s2], [sflag:$0x2] =	stream.linear.gather [hbm4b:s13+s2], $0x280, $0x38;
	[tilespmem:$0x14280] =	vst v63  }
0x2d: {  	s31 =	sshrl.u32 s15, $0x1;
	_ =	swait.ge [sflag:s3], $0x280  }
0x2e: {  	s15 =	ssub.s32 s15, s31;
	[sflag:s3] =	ssyncset.done $0x0  }
0x2f: {  	s15 =	smax.u32 s15, $0x1;
	[sflag:s3] =	ssyncadd.s32 $0xFFFFFD80  }
0x30: {  	[tilespmem:s6], [sflag:$0x1] =	stream.indirect.gather [hbm4b:s5+s6], $0x80, s2, s6, $0xb8;
	[tilespmem:$0x14280] =	vst v63  }
0x31: {  	p0 =	sne.s32 s15, $0x1;
	_ =	swait.ge [sflag:s7], $0x14000  }
.Ltmp0:
0x32: {  	s16 =	sshll.u32 s16, $0x4;
	[sflag:s7] =	ssyncset.done $0x0;
	(pc) =	sbr.rel @!p0 .LBB2_2-.Ltmp0, $4  }
0x33: {  	s14 =	sadd.s32 s14, s16;
	[sflag:s7] =	ssyncadd.s32 $0xFFFEC000  }
0x34: {  	[hbm4b:s14+s2] =	stream.linear.scatter [tilespmem:s6], [sflag:$0x2], $0x14000, $0x38;
	[tilespmem:$0x14280] =	vst v63  }
0x35: {  	_ =	swait.ge [sflag:s3], $0x14000  }
0x36: {  	s15 =	sadd.s32 $0xFFFFFFFF, s15;
	[sflag:s3] =	ssyncset.done $0x0  }
.LBB2_1:
0x37: {  	p0 =	sne.s32 s15, $0x1;
	s15 =	sadd.s32 $0xFFFFFFFF, s15;
	[sflag:s3] =	ssyncadd.s32 $0xFFFEC000  }
0x38: {  	[tilespmem:s2], [sflag:$0x2] =	stream.linear.gather [hbm4b:s4+s2], $0x280, $0x38;
	[tilespmem:$0x14280] =	vst v63  }
0x39: {  	_ =	swait.ge [sflag:s3], $0x280  }
0x3a: {  	[sflag:s3] =	ssyncset.done $0x0  }
0x3b: {  	[sflag:s3] =	ssyncadd.s32 $0xFFFFFD80  }
0x3c: {  	[tilespmem:s6], [sflag:$0x1] =	stream.indirect.gather [hbm4b:s5+s6], $0x80, s2, s6, $0xb8;
	[tilespmem:$0x14280] =	vst v63  }
0x3d: {  	_ =	swait.ge [sflag:s7], $0x14000  }
0x3e: {  	[sflag:s7] =	ssyncset.done $0x0  }
0x3f: {  	[sflag:s7] =	ssyncadd.s32 $0xFFFEC000  }
0x40: {  	[hbm4b:s8+s2] =	stream.linear.scatter [tilespmem:s6], [sflag:$0x2], $0x14000, $0x38;
	[tilespmem:$0x14280] =	vst v63  }
0x41: {  	_ =	swait.ge [sflag:s3], $0x14000  }
0x42: {  	[sflag:s3] =	ssyncset.done $0x0  }
0x43: {  	[sflag:s3] =	ssyncadd.s32 $0xFFFEC000  }
0x44: {  	[tilespmem:s2], [sflag:$0x2] =	stream.linear.gather [hbm4b:s9+s2], $0x280, $0x38;
	[tilespmem:$0x14280] =	vst v63  }
0x45: {  	_ =	swait.ge [sflag:s3], $0x280  }
0x46: {  	[sflag:s3] =	ssyncset.done $0x0  }
0x47: {  	[sflag:s3] =	ssyncadd.s32 $0xFFFFFD80  }
0x48: {  	[tilespmem:s6], [sflag:$0x1] =	stream.indirect.gather [hbm4b:s5+s6], $0x80, s2, s6, $0xb8;
	[tilespmem:$0x14280] =	vst v63  }
0x49: {  	_ =	swait.ge [sflag:s7], $0x14000  }
0x4a: {  	[sflag:s7] =	ssyncset.done $0x0  }
0x4b: {  	[sflag:s7] =	ssyncadd.s32 $0xFFFEC000  }
0x4c: {  	[hbm4b:s10+s2] =	stream.linear.scatter [tilespmem:s6], [sflag:$0x2], $0x14000, $0x38;
	[tilespmem:$0x14280] =	vst v63  }
0x4d: {  	_ =	swait.ge [sflag:s3], $0x14000  }
0x4e: {  	[sflag:s3] =	ssyncset.done $0x0  }
0x4f: {  	[sflag:s3] =	ssyncadd.s32 $0xFFFEC000  }
0x50: {  	[tilespmem:s2], [sflag:$0x2] =	stream.linear.gather [hbm4b:s11+s2], $0x280, $0x38;
	[tilespmem:$0x14280] =	vst v63  }
0x51: {  	_ =	swait.ge [sflag:s3], $0x280  }
0x52: {  	[sflag:s3] =	ssyncset.done $0x0  }
0x53: {  	[sflag:s3] =	ssyncadd.s32 $0xFFFFFD80  }
0x54: {  	[tilespmem:s6], [sflag:$0x1] =	stream.indirect.gather [hbm4b:s5+s6], $0x80, s2, s6, $0xb8;
	[tilespmem:$0x14280] =	vst v63  }
0x55: {  	_ =	swait.ge [sflag:s7], $0x14000  }
0x56: {  	[sflag:s7] =	ssyncset.done $0x0  }
0x57: {  	[sflag:s7] =	ssyncadd.s32 $0xFFFEC000  }
0x58: {  	[hbm4b:s12+s2] =	stream.linear.scatter [tilespmem:s6], [sflag:$0x2], $0x14000, $0x38;
	[tilespmem:$0x14280] =	vst v63  }
0x59: {  	_ =	swait.ge [sflag:s3], $0x14000  }
0x5a: {  	[sflag:s3] =	ssyncset.done $0x0  }
0x5b: {  	[sflag:s3] =	ssyncadd.s32 $0xFFFEC000  }
0x5c: {  	[tilespmem:s2], [sflag:$0x2] =	stream.linear.gather [hbm4b:s13+s2], $0x280, $0x38;
	[tilespmem:$0x14280] =	vst v63  }
0x5d: {  	_ =	swait.ge [sflag:s3], $0x280  }
0x5e: {  	[sflag:s3] =	ssyncset.done $0x0  }
0x5f: {  	[sflag:s3] =	ssyncadd.s32 $0xFFFFFD80  }
0x60: {  	[tilespmem:s6], [sflag:$0x1] =	stream.indirect.gather [hbm4b:s5+s6], $0x80, s2, s6, $0xb8;
	[tilespmem:$0x14280] =	vst v63  }
0x61: {  	_ =	swait.ge [sflag:s7], $0x14000  }
.Ltmp1:
0x62: {  	[sflag:s7] =	ssyncset.done $0x0;
	(pc) =	sbr.rel @p0 .LBB2_1-.Ltmp1, $4  }
0x63: {  	[sflag:s7] =	ssyncadd.s32 $0xFFFEC000  }
0x64: {  	[hbm4b:s14+s2] =	stream.linear.scatter [tilespmem:s6], [sflag:$0x2], $0x14000, $0x38;
	[tilespmem:$0x14280] =	vst v63  }
0x65: {  	_ =	swait.ge [sflag:s3], $0x14000  }
0x66: {  	[sflag:s3] =	ssyncset.done $0x0  }
.LBB2_2:
0x67: {  	[sflag:s3] =	ssyncadd.s32 $0xFFFEC000  }
0x68: {  	_ =	sfence.sel $0x180000  }
0x69: {  	[bflag:$0x0] =	sbarrier.arrive $0xFFFF  }
0x6a: {  	p0 =	sne.s32 s0, $0x0;
	_ =	strace $0x9000004A  }
0x6b: {  	s0 =	sadd.s32 @!p0 $0x100000, s1;
	[bflag:$0x2] =	sbarrier.arrive $0xFFFF  }
0x6c: {  	[sflag:s0] =	ssyncadd.tile.s32 @!p0 $0x1;
	_ =	shalt  }
.Lfunc_end2:
_tile_overlayer_lowered:
.L_overlay_start_2:
0x6d: {  	(tag) =	ssettag $0x2  }
0x6e: {  	s0 =	rddreg [dreg:$0x0];
	s2 =	stileid.u32  }
0x6f: {  	s1 =	rddreg [dreg:$0x1];
	p0 =	sne.s32 s2, $0x0  }
0x70: {  	s3 =	rddreg [dreg:$0x2];
	[bflag:$0x3] =	sbarrier.arrive $0xFFFF;
	s2 =	simm.s32 @!p0 $0x1C02  }
0x71: {  	[timem:s3], [sflag:s2] =	dma.local @!p0 [hbm:s0], s1  }
0x72: {  	s0 =	simm.s32 @!p0 $0x2  }
0x73: {  	_ =	swait.ge @!p0 [sflag:s0], s1  }
0x74: {  	s1 =	ssub.s32 @!p0 $0x0, s1;
	[sflag:s0] =	ssyncset.done @!p0 $0x0  }
0x75: {  	[sflag:s0] =	ssyncadd.s32 @!p0 s1  }
0x76: {  	[bflag:$0x3] =	sbarrier.arrive $0xFFFF  }
0x77: {  	_ =	shalt  }

// kernel: kernel.7.cloned.1.call-start
scs
__scs_entry_jumppad:
0x0: {  	(pc) =	sbr.rel $0x88, $3  }
0x1: {  	(tag) =	ssettag $0x0;
	lr =	simm.s32 $0x1  }
0x2: {  	[smem:$0x3F9E] =	sst lr;
	_ =	strace $0xD0000000  }
0x3: {  	_ = 	snop  }
0x4: {  	_ = 	snop  }
0x5: {  	_ = 	snop  }
0x6: {  	_ = 	snop  }
0x7: {  	_ = 	snop  }
__scs_overlays_trampoline_lowered:
0x8: {  	[smem:$0x3FAD] =	sst s0  }
0x9: {  	[smem:$0x3FAE] =	sst s1  }
0xa: {  	[smem:$0x3FAF] =	sst s2  }
0xb: {  	[smem:$0x3FB0] =	sst s3  }
0xc: {  	[smem:$0x3FB1] =	sst s4  }
0xd: {  	[smem:$0x3FB2] =	sst s5  }
0xe: {  	[smem:$0x3FB3] =	sst s6  }
0xf: {  	[smem:$0x3FB4] =	sst s7  }
0x10: {  	[smem:$0x3FB5] =	sst s8  }
0x11: {  	[smem:$0x3FB6] =	sst s9;
	s0 =	simm.s32 @!p0 $0x0  }
0x12: {  	s1 =	sld [smem:$0x3F9C];
	s0 =	simm.s32 @p0 $0x1  }
0x13: {  	[smem:$0x3FB7] =	sst s0;
	s0 =	simm.s32 @!p1 $0x0  }
0x14: {  	s2 =	sld [smem:$0x3F9B];
	s0 =	simm.s32 @p1 $0x1  }
0x15: {  	[smem:$0x3FB8] =	sst s0;
	s0 =	simm.s32 @!p2 $0x0  }
0x16: {  	s3 =	sld [smem:$0x3FDB];
	s0 =	simm.s32 @p2 $0x1  }
0x17: {  	s4 =	simm.s32 $0x1BF5;
	[smem:$0x3FBA] =	sst s0  }
0x18: {  	s0 =	sld [smem:$0x3F9D];
	_ =	swait.ge [sflag:s4], $0x0  }
0x19: {  	s7 =	sld [smem:$0x3F9E]  }
0x1a: {  	s8 =	sadd.s32 $0xFFFFE003, lr  }
0x1b: {  	s9 =	sadd.s32 $0xFFFFFEF7, lr;
	s5 =	simm.s32 $0xFFFFFFFF;
	p2 =	slt.u32 s8, $0xFFFFF086  }
0x1c: {  	p1 =	slt.u32 s9, $0xF7A;
	s5 =	simm.s32 @!p2 $0x0  }
0x1d: {  	s5 =	simm.s32 @p1 $0x1;
	p0 =	seq.s32 s7, s2  }
0x1e: {  	s7 =	smul.u32 @!p0 $0xF7A, s2;
	p2 =	seq.s32 @!p0 s5, $0x0  }
0x1f: {  	s9 =	smul.u32 $0xF7A, s1;
	s8 =	simm.s32 @!p0 $0x1BF5;
	p2 =	por !p2, p0  }
0x20: {  	[sflag:s8] =	ssyncset.s32 @!p0 $0xFFFFF086;
	s6 =	sadd.s32 @!p0 s3, s7;
	s7 =	simm.s32 @!p0 $0x108  }
0x21: {  	s3 =	sadd.s32 s3, s9;
	s6 =	sadd.s32 @!p0 $0x88, s6;
	s7 =	simm.s32 @p2 $0x1082  }
0x22: {  	[simem:s7], [sflag:s8] =	dma.local @!p0 [hbm:s6], $0xF7A  }
0x23: {  	s9 =	sor.u32 $0xD0000000, s2;
	s6 =	simm.s32 $0x108;
	_ =	swait.ge @!p0 [sflag:s8], $0x0  }
0x24: {  	s3 =	sadd.s32 $0x88, s3;
	s6 =	simm.s32 @!p1 $0x1082;
	[sflag:s4] =	ssyncset.s32 $0xFFFFF086  }
0x25: {  	[simem:s6], [sflag:s4] =	dma.local [hbm:s3], $0xF7A  }
0x26: {  	[smem:$0x3F9E] =	sst s1;
	(tag) =	ssettag s2;
	_ =	strace s9  }
0x27: {  	s1 =	sld [smem:$0x3FAE]  }
0x28: {  	s2 =	sld [smem:$0x3FAF]  }
0x29: {  	s4 =	sld [smem:$0x3FB1]  }
0x2a: {  	p0 =	seq.s32 s5, $0x0;
	s5 =	sld [smem:$0x3FB2]  }
0x2b: {  	s6 =	sld [smem:$0x3FB3]  }
0x2c: {  	s7 =	sld [smem:$0x3FB4]  }
0x2d: {  	s3 =	simm.s32 $0x108;
	s8 =	sld [smem:$0x3FB5]  }
0x2e: {  	s3 =	simm.s32 @!p0 $0x1082;
	s9 =	sld [smem:$0x3FB6]  }
0x2f: {  	lr =	sadd.s32 s0, s3;
	s0 =	sld [smem:$0x3FAD]  }
0x30: {  	s3 =	sld [smem:$0x3FB0]  }
0x31: {  	[smem:$0x3FB9] =	sst s10  }
0x32: {  	s10 =	sld [smem:$0x3FB7];
	_ =	sdelay $0x3  }
0x33: {  	p0 =	seq.s32 s10, $0x1;
	s10 =	sld [smem:$0x3FB9];
	_ =	sdelay $0x3  }
0x34: {  	[smem:$0x3FB9] =	sst s10  }
0x35: {  	s10 =	sld [smem:$0x3FB8];
	_ =	sdelay $0x3  }
0x36: {  	p1 =	seq.s32 s10, $0x1;
	s10 =	sld [smem:$0x3FB9];
	_ =	sdelay $0x3  }
0x37: {  	[smem:$0x3FB9] =	sst s10  }
0x38: {  	s10 =	sld [smem:$0x3FBA]  }
0x39: {  	_ = 	snop;
	(pc) =	sbr.ind lr, $3  }
0x3a: {  	_ = 	snop  }
0x3b: {  	_ = 	snop  }
0x3c: {  	p2 =	seq.s32 s10, $0x1;
	s10 =	sld [smem:$0x3FB9]  }
0x3d: {  	_ =	shalt  }
0x3e: {  	_ =	shalt  }
0x3f: {  	_ =	shalt  }
0x40: {  	_ =	shalt  }
0x41: {  	_ =	shalt  }
0x42: {  	_ =	shalt  }
0x43: {  	_ =	shalt  }
0x44: {  	_ =	shalt  }
0x45: {  	_ =	shalt  }
0x46: {  	_ =	shalt  }
0x47: {  	_ =	shalt  }
0x48: {  	_ =	shalt  }
0x49: {  	_ =	shalt  }
0x4a: {  	_ =	shalt  }
0x4b: {  	_ =	shalt  }
0x4c: {  	_ =	shalt  }
0x4d: {  	_ =	shalt  }
0x4e: {  	_ =	shalt  }
0x4f: {  	_ =	shalt  }
0x50: {  	_ =	shalt  }
0x51: {  	_ =	shalt  }
0x52: {  	_ =	shalt  }
0x53: {  	_ =	shalt  }
0x54: {  	_ =	shalt  }
0x55: {  	_ =	shalt  }
0x56: {  	_ =	shalt  }
0x57: {  	_ =	shalt  }
0x58: {  	_ =	shalt  }
0x59: {  	_ =	shalt  }
0x5a: {  	_ =	shalt  }
0x5b: {  	_ =	shalt  }
0x5c: {  	_ =	shalt  }
0x5d: {  	_ =	shalt  }
0x5e: {  	_ =	shalt  }
0x5f: {  	_ =	shalt  }
0x60: {  	_ =	shalt  }
0x61: {  	_ =	shalt  }
0x62: {  	_ =	shalt  }
0x63: {  	_ =	shalt  }
0x64: {  	_ =	shalt  }
0x65: {  	_ =	shalt  }
0x66: {  	_ =	shalt  }
0x67: {  	_ =	shalt  }
0x68: {  	_ =	shalt  }
0x69: {  	_ =	shalt  }
0x6a: {  	_ =	shalt  }
0x6b: {  	_ =	shalt  }
0x6c: {  	_ =	shalt  }
0x6d: {  	_ =	shalt  }
0x6e: {  	_ =	shalt  }
0x6f: {  	_ =	shalt  }
0x70: {  	_ =	shalt  }
0x71: {  	_ =	shalt  }
0x72: {  	_ =	shalt  }
0x73: {  	_ =	shalt  }
0x74: {  	_ =	shalt  }
0x75: {  	_ =	shalt  }
0x76: {  	_ =	shalt  }
0x77: {  	_ =	shalt  }
0x78: {  	_ =	shalt  }
0x79: {  	_ =	shalt  }
0x7a: {  	_ =	shalt  }
0x7b: {  	_ =	shalt  }
0x7c: {  	_ =	shalt  }
0x7d: {  	_ =	shalt  }
0x7e: {  	_ =	shalt  }
0x7f: {  	_ =	shalt  }
0x80: {  	_ =	shalt  }
0x81: {  	_ =	shalt  }
0x82: {  	_ =	shalt  }
0x83: {  	_ =	shalt  }
0x84: {  	_ =	shalt  }
0x85: {  	_ =	shalt  }
0x86: {  	_ =	shalt  }
0x87: {  	_ =	shalt  }
.Lfunc_end0:
.L_simem_size_0:
called_computation_lowered:
.L_overlay_start_0:
0x88: {  	s2 =	sld [smem:$0x3FD9]  }
0x89: {  	s3 =	sld [smem:$0x3FFE];
	_ =	sdelay $0x1  }
0x8a: {  	s1 =	srdreg.scid  }
0x8b: {  	s0 =	sand.u32 $0x1, s1  }
0x8c: {  	s14 =	sshll.u32 s0, $0xA;
	s2 =	sadd.s32 s3, s2  }
0x8d: {  	s2 =	sadd.s32 s2, s14  }
0x8e: {  	[smem:$0x3FC5] =	sst s2  }
0x8f: {  	_ = 	snop  }
0x90: {  	s2 =	sld [smem:$0x3FD0];
	_ =	sdelay $0x2  }
0x91: {  	s15 =	simm.s32 $0xA;
	s4 =	simm.s32 $0x10  }
0x92: {  	[smem:s4], [sflag:s15] =	dma.local [hbm:s2], $0x1  }
0x93: {  	_ =	swait.eq [sflag:s15], $0x1  }
0x94: {  	[sflag:s15] =	ssyncset.done $0x0  }
0x95: {  	[sflag:s15] =	ssyncadd.s32 $0xFFFFFFFF  }
0x96: {  	s16 =	sld [smem:$0x10];
	(tm) =	ssettm $0x1  }
0x97: {  	s17 =	sld [smem:$0x3FFB];
	_ =	sdelay $0x3  }
0x98: {  	_ =	strace s17  }
0x99: {  	s3 =	sld [smem:$0x3FFC];
	_ =	sdelay $0x3  }
0x9a: {  	_ =	strace s3  }
0x9b: {  	s3 =	sld [smem:$0x3FFD];
	_ =	sdelay $0x3  }
0x9c: {  	_ =	strace s3  }
0x9d: {  	_ =	strace $0x8FFFFFFF  }
0x9e: {  	s18 =	sld [smem:$0x3FDB];
	_ =	sdelay $0x1  }
0x9f: {  	s19 =	simm.s32 $_scs_section_size  }
0xa0: {  	s5 =	simm.s32 $_size__tile_overlayer_lowered;
	s6 =	simm.s32 $_tile_overlayer_lowered  }
0xa1: {  	s22 =	simm.s32 $0x1BFF;
	s21 =	sshll.u32 s6, $0x1;
	s3 =	sadd.s32 s19, s18  }
0xa2: {  	s7 =	simm.s32 $0x0;
	s20 =	sshll.u32 s5, $0x1;
	s5 =	sadd.s32 s21, s3  }
0xa3: {  	[timem:s7], [sflag:s22] =	dma.local [hbm:s5], s20  }
0xa4: {  	_ =	swait.ge [sflag:s22], s20  }
0xa5: {  	s4 =	ssub.s32 $0x0, s20;
	[sflag:s22] =	ssyncset.done $0x0  }
0xa6: {  	[sflag:s22] =	ssyncadd.s32 s4;
	_ =	sdelay $0x1  }
0xa7: {  	s23 =	simm.s32 $0x1B8B  }
0xa8: {  	_ =	swait.ge [sflag:s23], $0x1  }
0xa9: {  	[sflag:s23] =	ssyncset.done $0x0  }
0xaa: {  	s25 =	simm.s32 $0x1B8E;
	s24 =	sld [smem:$0x3FFE];
	[sflag:s23] =	ssyncadd.s32 $0xFFFFFFFF  }
0xab: {  	s26 =	simm.s32 $execute0_lowered;
	[smem:$0x3FD2] =	sst s25  }
0xac: {  	s5 =	sshll.u32 s26, $0x1;
	_ =	strace $0x80000046;
	[dreg:$0x1] =	wrdreg $0xFFFFFFFF  }
0xad: {  	s28 =	simm.s32 $_size_execute0_lowered;
	s3 =	sadd.s32 s3, s5;
	[dreg:$0x0] =	wrdreg $0x0  }
0xae: {  	s5 =	sshll.u32 s28, $0x1;
	[dreg:$0x2] =	wrdreg s3  }
0xaf: {  	[dreg:$0x3] =	wrdreg s5  }
0xb0: {  	[dreg:$0x4] =	wrdreg $0xC0  }
0xb1: {  	_ =	task [dreg:s7], $0x5FFFF  }
0xb2: {  	[dreg:$0x1] =	wrdreg $0xFFFFFFFF  }
0xb3: {  	[dreg:$0x0] =	wrdreg $0x60  }
0xb4: {  	[dreg:$0x2] =	wrdreg s24  }
0xb5: {  	[dreg:$0x3] =	wrdreg s16  }
0xb6: {  	[dreg:$0x4] =	wrdreg $0x9  }
0xb7: {  	_ =	task.clear_ibuf [dreg:s7], $0x5FFFF;
	_ =	strace $0x90000046  }
0xb8: {  	s29 =	simm.s32 $0x9;
	_ =	strace $0x80000048  }
0xb9: {  	_ =	swait.ge [sflag:s29], $0x1  }
0xba: {  	[sflag:s29] =	ssyncadd.s32 $0xFFFFFFFF  }
0xbb: {  	_ =	strace $0x90000048  }
0xbc: {  	_ =	sfence  }
0xbd: {  	s30 =	sld [smem:$0x0];
	_ =	sdelay $0x2  }
0xbe: {  	s31 =	sshll.u32 s1, $0xD;
	s1 =	sshrl.u32 s1, $0x2  }
0xbf: {  	s3 =	sand.u32 $0x4000, s31;
	s1 =	sadd.s32 s1, s30  }
0xc0: {  	s0 =	sor.u32 s3, s0;
	s1 =	sshll.u32 s1, $0x11  }
0xc1: {  	s0 =	sor.u32 s1, s0  }
0xc2: {  	s0 =	sadd.s32 $0x8F2B, s0  }
0xc3: {  	[sflag:s0] =	ssyncadd.remote.s32 $0x1  }
0xc4: {  	_ =	sfence.sel $0xFFFF  }
0xc5: {  	[dreg:$0x0] =	wrdreg $0xFFFFFFFF;
	(pc) =	sbr.abs _section_cstart, $3  }
0xc6: {  	[dreg:$0x1] =	wrdreg $0xFFFFFFFF  }
0xc7: {  	_ =	task.clear_ibuf [dreg:s7], $0x2FFFF;
	_ =	strace $0x9FFFFFFF  }
0xc8: {  	(tm) =	ssettm $0x7FFFFFFF  }
0xc9: {  	_ =	shalt  }
tec
execute0_lowered:
.L_overlay_start_1:
0x0: {  	(tag) =	ssettag $0x1  }
0x1: {  	s1 =	srdreg.scid;
	s0 =	stileid.u32  }
0x2: {  	s15 =	sand.u32 $0x1, s1;
	s30 =	sshll.u32 s0, $0x1  }
0x3: {  	s14 =	rddreg [dreg:$0x0];
	s8 =	sor.u32 s15, s30  }
0x4: {  	s13 =	rddreg [dreg:$0x1];
	s16 =	smul.u32 $0xA00, s8  }
0x5: {  	s2 =	simm.s32 $0x0;
	s1 =	rddreg [dreg:$0x2]  }
0x6: {  	[smem:$0x7FF] =	sst s2;
	s3 =	sshrl.u32 s16, $0x3  }
0x7: {  	_ =	strace $0x80000047;
	s4 =	sadd.s32 s13, s3;
	s3 =	simm.s32 $0x2  }
0x8: {  	[tilespmem:s2], [sflag:$0x2] =	stream.linear.gather [hbm4b:s4+s2], $0x280, $0x38;
	[tilespmem:$0x14280] =	vst v63  }
0x9: {  	_ =	swait.ge [sflag:s3], $0x280  }
0xa: {  	s6 =	simm.s32 $0x280;
	[sflag:s3] =	ssyncset.done $0x0  }
0xb: {  	s7 =	simm.s32 $0x1;
	s5 =	sadd.s32 $0x61A800, s14;
	[sflag:s3] =	ssyncadd.s32 $0xFFFFFD80  }
0xc: {  	[tilespmem:s6], [sflag:$0x1] =	stream.indirect.gather [hbm4b:s5+s6], $0x80, s2, s6, $0xb8;
	[tilespmem:$0x14280] =	vst v63  }
0xd: {  	s8 =	smul.u32 $0xA000, s8;
	_ =	swait.ge [sflag:s7], $0x14000  }
0xe: {  	[sflag:s7] =	ssyncset.done $0x0  }
0xf: {  	s8 =	sadd.s32 s14, s8;
	[sflag:s7] =	ssyncadd.s32 $0xFFFEC000  }
0x10: {  	[hbm4b:s8+s2] =	stream.linear.scatter [tilespmem:s6], [sflag:$0x2], $0x14000, $0x38;
	[tilespmem:$0x14280] =	vst v63  }
0x11: {  	s10 =	sadd.s32 $0x280, s16;
	_ =	swait.ge [sflag:s3], $0x14000  }
0x12: {  	s9 =	sshrl.u32 s10, $0x3;
	[sflag:s3] =	ssyncset.done $0x0  }
0x13: {  	s9 =	sadd.s32 s13, s9;
	[sflag:s3] =	ssyncadd.s32 $0xFFFEC000  }
0x14: {  	[tilespmem:s2], [sflag:$0x2] =	stream.linear.gather [hbm4b:s9+s2], $0x280, $0x38;
	[tilespmem:$0x14280] =	vst v63  }
0x15: {  	_ =	swait.ge [sflag:s3], $0x280  }
0x16: {  	[sflag:s3] =	ssyncset.done $0x0  }
0x17: {  	[sflag:s3] =	ssyncadd.s32 $0xFFFFFD80  }
0x18: {  	[tilespmem:s6], [sflag:$0x1] =	stream.indirect.gather [hbm4b:s5+s6], $0x80, s2, s6, $0xb8;
	[tilespmem:$0x14280] =	vst v63  }
0x19: {  	_ =	swait.ge [sflag:s7], $0x14000  }
0x1a: {  	s10 =	sshll.u32 s10, $0x4;
	[sflag:s7] =	ssyncset.done $0x0  }
0x1b: {  	s10 =	sadd.s32 s14, s10;
	[sflag:s7] =	ssyncadd.s32 $0xFFFEC000  }
0x1c: {  	[hbm4b:s10+s2] =	stream.linear.scatter [tilespmem:s6], [sflag:$0x2], $0x14000, $0x38;
	[tilespmem:$0x14280] =	vst v63  }
0x1d: {  	s12 =	sadd.s32 $0x500, s16;
	_ =	swait.ge [sflag:s3], $0x14000  }
0x1e: {  	s11 =	sshrl.u32 s12, $0x3;
	[sflag:s3] =	ssyncset.done $0x0  }
0x1f: {  	s11 =	sadd.s32 s13, s11;
	[sflag:s3] =	ssyncadd.s32 $0xFFFEC000  }
0x20: {  	[tilespmem:s2], [sflag:$0x2] =	stream.linear.gather [hbm4b:s11+s2], $0x280, $0x38;
	[tilespmem:$0x14280] =	vst v63  }
0x21: {  	_ =	swait.ge [sflag:s3], $0x280  }
0x22: {  	[sflag:s3] =	ssyncset.done $0x0  }
0x23: {  	[sflag:s3] =	ssyncadd.s32 $0xFFFFFD80  }
0x24: {  	[tilespmem:s6], [sflag:$0x1] =	stream.indirect.gather [hbm4b:s5+s6], $0x80, s2, s6, $0xb8;
	[tilespmem:$0x14280] =	vst v63  }
0x25: {  	_ =	swait.ge [sflag:s7], $0x14000  }
0x26: {  	s12 =	sshll.u32 s12, $0x4;
	[sflag:s7] =	ssyncset.done $0x0  }
0x27: {  	s12 =	sadd.s32 s14, s12;
	[sflag:s7] =	ssyncadd.s32 $0xFFFEC000  }
0x28: {  	[hbm4b:s12+s2] =	stream.linear.scatter [tilespmem:s6], [sflag:$0x2], $0x14000, $0x38;
	[tilespmem:$0x14280] =	vst v63  }
0x29: {  	s16 =	sadd.s32 $0x780, s16;
	_ =	swait.ge [sflag:s3], $0x14000  }
0x2a: {  	s17 =	sshrl.u32 s16, $0x3;
	[sflag:s3] =	ssyncset.done $0x0  }
0x2b: {  	s15 =	ssub.s32 $0x2, s15;
	s13 =	sadd.s32 s13, s17;
	[sflag:s3] =	ssyncadd.s32 $0xFFFEC000  }
0x2c: {  	[tilespmem:s2], [sflag:$0x2] =	stream.linear.gather [hbm4b:s13+s2], $0x280, $0x38;
	[tilespmem:$0x14280] =	vst v63  }
0x2d: {  	s31 =	sshrl.u32 s15, $0x1;
	_ =	swait.ge [sflag:s3], $0x280  }
0x2e: {  	s15 =	ssub.s32 s15, s31;
	[sflag:s3] =	ssyncset.done $0x0  }
0x2f: {  	s15 =	smax.u32 s15, $0x1;
	[sflag:s3] =	ssyncadd.s32 $0xFFFFFD80  }
0x30: {  	[tilespmem:s6], [sflag:$0x1] =	stream.indirect.gather [hbm4b:s5+s6], $0x80, s2, s6, $0xb8;
	[tilespmem:$0x14280] =	vst v63  }
0x31: {  	p0 =	sne.s32 s15, $0x1;
	_ =	swait.ge [sflag:s7], $0x14000  }
.Ltmp0:
0x32: {  	s16 =	sshll.u32 s16, $0x4;
	[sflag:s7] =	ssyncset.done $0x0;
	(pc) =	sbr.rel @!p0 .LBB2_2-.Ltmp0, $4  }
0x33: {  	s14 =	sadd.s32 s14, s16;
	[sflag:s7] =	ssyncadd.s32 $0xFFFEC000  }
0x34: {  	[hbm4b:s14+s2] =	stream.linear.scatter [tilespmem:s6], [sflag:$0x2], $0x14000, $0x38;
	[tilespmem:$0x14280] =	vst v63  }
0x35: {  	_ =	swait.ge [sflag:s3], $0x14000  }
0x36: {  	s15 =	sadd.s32 $0xFFFFFFFF, s15;
	[sflag:s3] =	ssyncset.done $0x0  }
.LBB2_1:
0x37: {  	p0 =	sne.s32 s15, $0x1;
	s15 =	sadd.s32 $0xFFFFFFFF, s15;
	[sflag:s3] =	ssyncadd.s32 $0xFFFEC000  }
0x38: {  	[tilespmem:s2], [sflag:$0x2] =	stream.linear.gather [hbm4b:s4+s2], $0x280, $0x38;
	[tilespmem:$0x14280] =	vst v63  }
0x39: {  	_ =	swait.ge [sflag:s3], $0x280  }
0x3a: {  	[sflag:s3] =	ssyncset.done $0x0  }
0x3b: {  	[sflag:s3] =	ssyncadd.s32 $0xFFFFFD80  }
0x3c: {  	[tilespmem:s6], [sflag:$0x1] =	stream.indirect.gather [hbm4b:s5+s6], $0x80, s2, s6, $0xb8;
	[tilespmem:$0x14280] =	vst v63  }
0x3d: {  	_ =	swait.ge [sflag:s7], $0x14000  }
0x3e: {  	[sflag:s7] =	ssyncset.done $0x0  }
0x3f: {  	[sflag:s7] =	ssyncadd.s32 $0xFFFEC000  }
0x40: {  	[hbm4b:s8+s2] =	stream.linear.scatter [tilespmem:s6], [sflag:$0x2], $0x14000, $0x38;
	[tilespmem:$0x14280] =	vst v63  }
0x41: {  	_ =	swait.ge [sflag:s3], $0x14000  }
0x42: {  	[sflag:s3] =	ssyncset.done $0x0  }
0x43: {  	[sflag:s3] =	ssyncadd.s32 $0xFFFEC000  }
0x44: {  	[tilespmem:s2], [sflag:$0x2] =	stream.linear.gather [hbm4b:s9+s2], $0x280, $0x38;
	[tilespmem:$0x14280] =	vst v63  }
0x45: {  	_ =	swait.ge [sflag:s3], $0x280  }
0x46: {  	[sflag:s3] =	ssyncset.done $0x0  }
0x47: {  	[sflag:s3] =	ssyncadd.s32 $0xFFFFFD80  }
0x48: {  	[tilespmem:s6], [sflag:$0x1] =	stream.indirect.gather [hbm4b:s5+s6], $0x80, s2, s6, $0xb8;
	[tilespmem:$0x14280] =	vst v63  }
0x49: {  	_ =	swait.ge [sflag:s7], $0x14000  }
0x4a: {  	[sflag:s7] =	ssyncset.done $0x0  }
0x4b: {  	[sflag:s7] =	ssyncadd.s32 $0xFFFEC000  }
0x4c: {  	[hbm4b:s10+s2] =	stream.linear.scatter [tilespmem:s6], [sflag:$0x2], $0x14000, $0x38;
	[tilespmem:$0x14280] =	vst v63  }
0x4d: {  	_ =	swait.ge [sflag:s3], $0x14000  }
0x4e: {  	[sflag:s3] =	ssyncset.done $0x0  }
0x4f: {  	[sflag:s3] =	ssyncadd.s32 $0xFFFEC000  }
0x50: {  	[tilespmem:s2], [sflag:$0x2] =	stream.linear.gather [hbm4b:s11+s2], $0x280, $0x38;
	[tilespmem:$0x14280] =	vst v63  }
0x51: {  	_ =	swait.ge [sflag:s3], $0x280  }
0x52: {  	[sflag:s3] =	ssyncset.done $0x0  }
0x53: {  	[sflag:s3] =	ssyncadd.s32 $0xFFFFFD80  }
0x54: {  	[tilespmem:s6], [sflag:$0x1] =	stream.indirect.gather [hbm4b:s5+s6], $0x80, s2, s6, $0xb8;
	[tilespmem:$0x14280] =	vst v63  }
0x55: {  	_ =	swait.ge [sflag:s7], $0x14000  }
0x56: {  	[sflag:s7] =	ssyncset.done $0x0  }
0x57: {  	[sflag:s7] =	ssyncadd.s32 $0xFFFEC000  }
0x58: {  	[hbm4b:s12+s2] =	stream.linear.scatter [tilespmem:s6], [sflag:$0x2], $0x14000, $0x38;
	[tilespmem:$0x14280] =	vst v63  }
0x59: {  	_ =	swait.ge [sflag:s3], $0x14000  }
0x5a: {  	[sflag:s3] =	ssyncset.done $0x0  }
0x5b: {  	[sflag:s3] =	ssyncadd.s32 $0xFFFEC000  }
0x5c: {  	[tilespmem:s2], [sflag:$0x2] =	stream.linear.gather [hbm4b:s13+s2], $0x280, $0x38;
	[tilespmem:$0x14280] =	vst v63  }
0x5d: {  	_ =	swait.ge [sflag:s3], $0x280  }
0x5e: {  	[sflag:s3] =	ssyncset.done $0x0  }
0x5f: {  	[sflag:s3] =	ssyncadd.s32 $0xFFFFFD80  }
0x60: {  	[tilespmem:s6], [sflag:$0x1] =	stream.indirect.gather [hbm4b:s5+s6], $0x80, s2, s6, $0xb8;
	[tilespmem:$0x14280] =	vst v63  }
0x61: {  	_ =	swait.ge [sflag:s7], $0x14000  }
.Ltmp1:
0x62: {  	[sflag:s7] =	ssyncset.done $0x0;
	(pc) =	sbr.rel @p0 .LBB2_1-.Ltmp1, $4  }
0x63: {  	[sflag:s7] =	ssyncadd.s32 $0xFFFEC000  }
0x64: {  	[hbm4b:s14+s2] =	stream.linear.scatter [tilespmem:s6], [sflag:$0x2], $0x14000, $0x38;
	[tilespmem:$0x14280] =	vst v63  }
0x65: {  	_ =	swait.ge [sflag:s3], $0x14000  }
0x66: {  	[sflag:s3] =	ssyncset.done $0x0  }
.LBB2_2:
0x67: {  	[sflag:s3] =	ssyncadd.s32 $0xFFFEC000  }
0x68: {  	_ =	sfence.sel $0x180000  }
0x69: {  	[bflag:$0x0] =	sbarrier.arrive $0xFFFF  }
0x6a: {  	p0 =	sne.s32 s0, $0x0;
	_ =	strace $0x90000047  }
0x6b: {  	s0 =	sadd.s32 @!p0 $0x100000, s1;
	[bflag:$0x2] =	sbarrier.arrive $0xFFFF  }
0x6c: {  	[sflag:s0] =	ssyncadd.tile.s32 @!p0 $0x1;
	_ =	shalt  }
.Lfunc_end2:
_tile_overlayer_lowered:
.L_overlay_start_2:
0x6d: {  	(tag) =	ssettag $0x2  }
0x6e: {  	s0 =	rddreg [dreg:$0x0];
	s2 =	stileid.u32  }
0x6f: {  	s1 =	rddreg [dreg:$0x1];
	p0 =	sne.s32 s2, $0x0  }
0x70: {  	s3 =	rddreg [dreg:$0x2];
	[bflag:$0x3] =	sbarrier.arrive $0xFFFF;
	s2 =	simm.s32 @!p0 $0x1C02  }
0x71: {  	[timem:s3], [sflag:s2] =	dma.local @!p0 [hbm:s0], s1  }
0x72: {  	s0 =	simm.s32 @!p0 $0x2  }
0x73: {  	_ =	swait.ge @!p0 [sflag:s0], s1  }
0x74: {  	s1 =	ssub.s32 @!p0 $0x0, s1;
	[sflag:s0] =	ssyncset.done @!p0 $0x0  }
0x75: {  	[sflag:s0] =	ssyncadd.s32 @!p0 s1  }
0x76: {  	[bflag:$0x3] =	sbarrier.arrive $0xFFFF  }
0x77: {  	_ =	shalt  }

</sc_bundles>
